<compile_context>
chip_gen: v7x
topology: tpu7x:2x2x1
jax: 0.10.2.dev20260603
libtpu: 0.0.44.dev20260713+nightly
codegen_flags: <defaults>
</compile_context>

<pallas_src>
import functools

import jax
import jax.numpy as jnp
from jax import lax
from jax.experimental import pallas as pl
from jax.experimental.pallas import tpu as pltpu
from jax.experimental.pallas import tpu_sc as plsc

N = 512
BI = 64
N_ELEM = 100


def _radii_gather(radii_table, numbers):
    info = plsc.get_sparse_core_info()
    nw = info.num_cores * info.num_subcores
    per = N // nw
    mesh = plsc.VectorSubcoreMesh(core_axis_name="c", subcore_axis_name="s")

    @functools.partial(
        pl.kernel, mesh=mesh,
        out_type=jax.ShapeDtypeStruct((N,), jnp.float32),
        scratch_types=[
            pltpu.VMEM((per,), jnp.int32),
            pltpu.VMEM((per,), jnp.float32),
            pltpu.SemaphoreType.DMA,
        ],
    )
    def gather_k(table_hbm, idx_hbm, out_hbm, idx_v, out_v, sem):
        wid = lax.axis_index("s") * info.num_cores + lax.axis_index("c")
        base = wid * per
        pltpu.sync_copy(idx_hbm.at[pl.ds(base, per)], idx_v)
        pltpu.async_copy(table_hbm.at[idx_v], out_v, sem).wait()
        pltpu.sync_copy(out_v, out_hbm.at[pl.ds(base, per)])

    table_pad = jnp.pad(radii_table.astype(jnp.float32), (0, 128 - N_ELEM))
    return gather_k(table_pad, numbers.astype(jnp.int32))


def _body(pj_ref, sv_ref, rj_ref, pi_ref, ri_ref, out_ref):
    pj = pj_ref[...]
    pj0 = pj[0:1, :]
    pj1 = pj[1:2, :]
    pj2 = pj[2:3, :]
    pi = pi_ref[...]
    pi0 = pi[:, 0:1]
    pi1 = pi[:, 1:2]
    pi2 = pi[:, 2:3]
    dx0 = pj0 - pi0
    dx1 = pj1 - pi1
    dx2 = pj2 - pi2
    rj = rj_ref[...]
    gcut = 2.0 * jnp.max(rj)
    cut = jnp.minimum(ri_ref[...] + rj, gcut)
    eps = jnp.float32(1e-8)
    for s in range(27):
        d0 = dx0 + sv_ref[s, 0]
        d1 = dx1 + sv_ref[s, 1]
        d2 = dx2 + sv_ref[s, 2]
        rs = jnp.sqrt((d0 * d0 + d1 * d1) + d2 * d2)
        mask = (rs <= cut) & (rs > eps)
        out_ref[s, 0, :, :] = jnp.where(mask, d0, 0.0)
        out_ref[s, 1, :, :] = jnp.where(mask, d1, 0.0)
        out_ref[s, 2, :, :] = jnp.where(mask, d2, 0.0)


def _field(PJ, SV, RJ, PI, RI):
    return pl.pallas_call(
        _body,
        grid=(N // BI,),
        in_specs=[
            pl.BlockSpec((8, N), lambda i: (0, 0)),
            pl.BlockSpec((32, 128), lambda i: (0, 0)),
            pl.BlockSpec((1, N), lambda i: (0, 0)),
            pl.BlockSpec((BI, 3), lambda i: (i, 0)),
            pl.BlockSpec((BI, 1), lambda i: (i, 0)),
        ],
        out_specs=pl.BlockSpec((27, 3, BI, N), lambda i: (0, 0, i, 0)),
        out_shape=jax.ShapeDtypeStruct((27, 3, N, N), jnp.float32),
    )(PJ, SV, RJ, PI, RI)


def kernel(positions, cell, radii_table, numbers):
    positions = positions.astype(jnp.float32)
    s = jnp.arange(-1, 2, dtype=positions.dtype)
    g = jnp.meshgrid(s, s, s, indexing="ij")
    shifts = jnp.stack(g, axis=-1).reshape(-1, 3)
    shift_vecs = shifts @ cell

    radii = _radii_gather(radii_table, numbers)

    PJ = jnp.pad(positions.T, ((0, 5), (0, 0)))
    SV = jnp.pad(shift_vecs, ((0, 5), (0, 125)))
    RJ = radii.reshape(1, N)
    PI = positions
    RI = radii.reshape(N, 1)

    out = _field(PJ, SV, RJ, PI, RI)
    return jnp.transpose(out, (2, 3, 0, 1))

# --- scband reference (transcript-rebuilt; emitter-appended) ---
"""Pipeline reference for scband-periodic-natural-radius-graph-66211215835772 (READ-ONLY COPY).

The authoritative reference and input builder live on the scoring server;
editing this copy changes nothing except your own understanding.
"""

import jax, jax.numpy as jnp
import numpy as np

MULT = 1.0
N_ATOMS = 512
CELL_EDGE = 21.5
N_ELEM = 100


def setup_inputs(seed: int = 0) -> dict:
    key = jax.random.key(seed)
    k1, k2, k3 = jax.random.split(key, 3)
    cell = (CELL_EDGE * jnp.eye(3)).astype(jnp.float32)
    frac = jax.random.uniform(k1, (N_ATOMS, 3), dtype=jnp.float32)
    positions = frac @ cell
    numbers = jax.random.randint(k2, (N_ATOMS,), 1, 90)
    # covalent radii lookup table (Angstrom-scale values ~0.3..2.0)
    radii_table = (0.3 + 1.7 * jax.random.uniform(k3, (N_ELEM,), dtype=jnp.float32))
    return {"positions": positions, "cell": cell, "radii_table": radii_table, "numbers": numbers}


def reference(positions, cell, radii_table, numbers):
    # CovalentRadius(): per-atom radius lookup (SparseCore gather)
    radii = jnp.take(radii_table, numbers, axis=0)  # [N]
    # global cutoff for the initial periodic radius graph
    global_cutoff = MULT * 2.0 * jnp.max(radii)
    # 3x3x3 periodic image shifts
    s = jnp.arange(-1, 2, dtype=positions.dtype)
    g = jnp.meshgrid(s, s, s, indexing="ij")
    shifts = jnp.stack(g, axis=-1).reshape(-1, 3)  # [27,3]
    shift_vecs = shifts @ cell  # [27,3]
    # all pairwise displacement vectors across periodic images: D[i,j,s] = x_j - x_i + S_s
    disp = positions[None, :, None, :] - positions[:, None, None, :] + shift_vecs[None, None, :, :]  # [N,N,27,3]
    rs = jnp.linalg.norm(disp, axis=-1)  # [N,N,27] == g.edata['r'].norm(dim=1)
    # per-pair natural cutoff: mult * (r_u + r_v)  (dgl.ops.u_add_v)
    pair_cut = MULT * (radii[:, None] + radii[None, :])  # [N,N]
    # edge_subgraph(g, rs <= cutoffs): keep edges within global graph AND within pair cutoff; drop self pair at zero shift
    mask = (rs <= global_cutoff) & (rs <= pair_cut[:, :, None]) & (rs > 1e-8)
    # dense representation of surviving edge displacement vectors g.edata['r']
    edge_r = disp * mask[..., None].astype(disp.dtype)  # [N,N,27,3]
    return edge_r

if __name__ == "__main__":
    import jax
    _d = setup_inputs()
    print(jax.jit(kernel)(*tuple(_d.values())))

</pallas_src>

<mosaic_0001>
#map = affine_map<(d0, d1) -> (0)>
module attributes {stable_mosaic.version = 14 : i64} {
  func.func @gather_k(%arg0: i32, %arg1: i32, %arg2: memref<128xf32, #tpu.memory_space<hbm>>, %arg3: memref<512xi32, #tpu.memory_space<hbm>>, %arg4: memref<512xf32, #tpu.memory_space<hbm>>, %arg5: memref<16xi32, #tpu.memory_space<vmem>>, %arg6: memref<16xf32, #tpu.memory_space<vmem>>, %arg7: memref<!tpu.dma_semaphore, #tpu.memory_space<semaphore_mem>>) attributes {dimension_semantics = [#tpu.dimension_semantics<core_parallel>, #tpu.dimension_semantics<subcore_parallel>], iteration_bounds = array<i64: 2, 16>, scalar_prefetch = 0 : i64, scratch_operands = 3 : i64, tpu.core_type = #tpu.core_type<sc_vector_subcore>, window_params = [{transform_indices = #map}, {transform_indices = #map}, {transform_indices = #map}]} {
    %mul3A = arith.constant 2 : i32
    %mul3A_0 = arith.muli %arg1, %mul3A : i32
    %add3A = arith.addi %mul3A_0, %arg0 : i32
    %mul3A_1 = arith.constant 16 : i32
    %mul3A_2 = arith.muli %add3A, %mul3A_1 : i32
    "tpu.region"() ({
      %run_scoped3A = tpu.sem_alloc : memref<!tpu.dma_semaphore, #tpu.memory_space<semaphore_mem>>
      %dma_start3A_5 = tpu.memref_slice %arg3[%mul3A_2] : memref<512xi32, #tpu.memory_space<hbm>> -> memref<16xi32, #tpu.memory_space<hbm>>
      %dma_start3A_6 = tpu.memref_slice %arg3[%mul3A_2] : memref<512xi32, #tpu.memory_space<hbm>> -> memref<16xi32, #tpu.memory_space<hbm>>
      tpu.enqueue_dma source(%dma_start3A_6 : memref<16xi32, #tpu.memory_space<hbm>>) target(%arg5 : memref<16xi32, #tpu.memory_space<vmem>>) target_semaphore(%run_scoped3A : memref<!tpu.dma_semaphore, #tpu.memory_space<semaphore_mem>>)
      %dma_wait3A_7 = tpu.memref_slice %arg3[%mul3A_2] : memref<512xi32, #tpu.memory_space<hbm>> -> memref<16xi32, #tpu.memory_space<hbm>>
      %dma_wait3A_8 = tpu.memref_slice %arg3[%mul3A_2] : memref<512xi32, #tpu.memory_space<hbm>> -> memref<16xi32, #tpu.memory_space<hbm>>
      tpu.wait_dma2 semaphore(%run_scoped3A : memref<!tpu.dma_semaphore, #tpu.memory_space<semaphore_mem>>) src(%dma_wait3A_8 : memref<16xi32, #tpu.memory_space<hbm>>) dst(%arg5 : memref<16xi32, #tpu.memory_space<vmem>>)
      tpu.yield
    }) : () -> ()
    %dma_start3A = arith.constant 0 : i32
    %dma_start3A_3 = tpu.memref_slice %arg2[%dma_start3A] : memref<128xf32, #tpu.memory_space<hbm>> -> memref<128xf32, #tpu.memory_space<hbm>>
    tpu.enqueue_indirect_dma source(%dma_start3A_3 : memref<128xf32, #tpu.memory_space<hbm>>) target(%arg6 : memref<16xf32, #tpu.memory_space<vmem>>) offsets(%arg5 : memref<16xi32, #tpu.memory_space<vmem>>) semaphore(%arg7 : memref<!tpu.dma_semaphore, #tpu.memory_space<semaphore_mem>>)
    %dma_wait3A = arith.constant 0 : i32
    %dma_wait3A_4 = tpu.memref_slice %arg2[%dma_wait3A] : memref<128xf32, #tpu.memory_space<hbm>> -> memref<128xf32, #tpu.memory_space<hbm>>
    tpu.wait_indirect_dma semaphore(%arg7 : memref<!tpu.dma_semaphore, #tpu.memory_space<semaphore_mem>>) src(%dma_wait3A_4 : memref<128xf32, #tpu.memory_space<hbm>>) dst(%arg6 : memref<16xf32, #tpu.memory_space<vmem>>)
    "tpu.region"() ({
      %run_scoped3A = tpu.sem_alloc : memref<!tpu.dma_semaphore, #tpu.memory_space<semaphore_mem>>
      %dma_start3A_5 = tpu.memref_slice %arg4[%mul3A_2] : memref<512xf32, #tpu.memory_space<hbm>> -> memref<16xf32, #tpu.memory_space<hbm>>
      %dma_start3A_6 = tpu.memref_slice %arg4[%mul3A_2] : memref<512xf32, #tpu.memory_space<hbm>> -> memref<16xf32, #tpu.memory_space<hbm>>
      tpu.enqueue_dma source(%arg6 : memref<16xf32, #tpu.memory_space<vmem>>) target(%dma_start3A_6 : memref<16xf32, #tpu.memory_space<hbm>>) target_semaphore(%run_scoped3A : memref<!tpu.dma_semaphore, #tpu.memory_space<semaphore_mem>>)
      %dma_wait3A_7 = tpu.memref_slice %arg4[%mul3A_2] : memref<512xf32, #tpu.memory_space<hbm>> -> memref<16xf32, #tpu.memory_space<hbm>>
      %dma_wait3A_8 = tpu.memref_slice %arg4[%mul3A_2] : memref<512xf32, #tpu.memory_space<hbm>> -> memref<16xf32, #tpu.memory_space<hbm>>
      tpu.wait_dma2 semaphore(%run_scoped3A : memref<!tpu.dma_semaphore, #tpu.memory_space<semaphore_mem>>) src(%arg6 : memref<16xf32, #tpu.memory_space<vmem>>) dst(%dma_wait3A_8 : memref<16xf32, #tpu.memory_space<hbm>>)
      tpu.yield
    }) : () -> ()
    return
  }
}

module attributes {stable_mosaic.version = 14 : i64} {
  func.func @_body(%arg0: i32, %arg1: memref<8x512xf32, #tpu.memory_space<vmem>>, %arg2: memref<32x128xf32, #tpu.memory_space<vmem>>, %arg3: memref<1x512xf32, #tpu.memory_space<vmem>>, %arg4: memref<64x3xf32, #tpu.memory_space<vmem>>, %arg5: memref<64x1xf32, #tpu.memory_space<vmem>>, %arg6: memref<27x3x64x512xf32, #tpu.memory_space<vmem>>) attributes {dimension_semantics = [#tpu.dimension_semantics<arbitrary>], iteration_bounds = array<i64: 8>, scalar_prefetch = 0 : i64, scratch_operands = 0 : i64, tpu.core_type = #tpu.core_type<tc>, window_params = [{pipeline_mode = #tpu.pipeline_mode<synchronous>, transform_indices = @transform_0, window_bounds = array<i64: 8, 512>}, {pipeline_mode = #tpu.pipeline_mode<synchronous>, transform_indices = @transform_1, window_bounds = array<i64: 32, 128>}, {pipeline_mode = #tpu.pipeline_mode<synchronous>, transform_indices = @transform_2, window_bounds = array<i64: 1, 512>}, {transform_indices = @transform_3, window_bounds = array<i64: 64, 3>}, {transform_indices = @transform_4, window_bounds = array<i64: 64, 1>}, {transform_indices = @transform_5, window_bounds = array<i64: 27, 3, 64, 512>}]} {
    %get3A = arith.constant 0 : index
    %get3A_0 = arith.constant 0 : index
    %get3A_1 = vector.load %arg1[%get3A, %get3A_0] : memref<8x512xf32, #tpu.memory_space<vmem>>, vector<8x512xf32>
    %slice3A = vector.extract_strided_slice %get3A_1 {offsets = [0, 0], sizes = [1, 512], strides = [1, 1]} : vector<8x512xf32> to vector<1x512xf32>
    %slice3A_2 = vector.extract_strided_slice %get3A_1 {offsets = [1, 0], sizes = [1, 512], strides = [1, 1]} : vector<8x512xf32> to vector<1x512xf32>
    %slice3A_3 = vector.extract_strided_slice %get3A_1 {offsets = [2, 0], sizes = [1, 512], strides = [1, 1]} : vector<8x512xf32> to vector<1x512xf32>
    %get3A_4 = arith.constant 0 : index
    %get3A_5 = arith.constant 0 : index
    %get3A_6 = vector.load %arg4[%get3A_4, %get3A_5] : memref<64x3xf32, #tpu.memory_space<vmem>>, vector<64x3xf32>
    %slice3A_7 = vector.extract_strided_slice %get3A_6 {offsets = [0, 0], sizes = [64, 1], strides = [1, 1]} : vector<64x3xf32> to vector<64x1xf32>
    %slice3A_8 = vector.extract_strided_slice %get3A_6 {offsets = [0, 1], sizes = [64, 1], strides = [1, 1]} : vector<64x3xf32> to vector<64x1xf32>
    %slice3A_9 = vector.extract_strided_slice %get3A_6 {offsets = [0, 2], sizes = [64, 1], strides = [1, 1]} : vector<64x3xf32> to vector<64x1xf32>
    %sub3A = vector.broadcast %slice3A : vector<1x512xf32> to vector<64x512xf32>
    %sub3A_10 = vector.broadcast %slice3A_7 : vector<64x1xf32> to vector<64x512xf32>
    %sub3A_11 = arith.subf %sub3A, %sub3A_10 : vector<64x512xf32>
    %sub3A_12 = vector.broadcast %slice3A_2 : vector<1x512xf32> to vector<64x512xf32>
    %sub3A_13 = vector.broadcast %slice3A_8 : vector<64x1xf32> to vector<64x512xf32>
    %sub3A_14 = arith.subf %sub3A_12, %sub3A_13 : vector<64x512xf32>
    %sub3A_15 = vector.broadcast %slice3A_3 : vector<1x512xf32> to vector<64x512xf32>
    %sub3A_16 = vector.broadcast %slice3A_9 : vector<64x1xf32> to vector<64x512xf32>
    %sub3A_17 = arith.subf %sub3A_15, %sub3A_16 : vector<64x512xf32>
    %get3A_18 = arith.constant 0 : index
    %get3A_19 = arith.constant 0 : index
    %get3A_20 = vector.load %arg3[%get3A_18, %get3A_19] : memref<1x512xf32, #tpu.memory_space<vmem>>, vector<1x512xf32>
    %reduce_max3A = vector.shape_cast %get3A_20 : vector<1x512xf32> to vector<1x1x512xf32>
    %reduce_max3A_21 = arith.constant dense<0xFF800000> : vector<1xf32>
    %reduce_max3A_22 = vector.multi_reduction <maximumf>, %reduce_max3A, %reduce_max3A_21 [1, 2] : vector<1x1x512xf32> to vector<1xf32>
    %reduce_max3A_23 = vector.shape_cast %reduce_max3A_22 : vector<1xf32> to vector<1x1x1xf32>
    %reduce_max3A_24 = vector.extract %reduce_max3A_23[0, 0, 0] : f32 from vector<1x1x1xf32>
    %mul3A = arith.constant 2.000000e+00 : f32
    %mul3A_25 = arith.mulf %mul3A, %reduce_max3A_24 : f32
    %get3A_26 = arith.constant 0 : index
    %get3A_27 = arith.constant 0 : index
    %get3A_28 = vector.load %arg5[%get3A_26, %get3A_27] : memref<64x1xf32, #tpu.memory_space<vmem>>, vector<64x1xf32>
    %add3A = vector.broadcast %get3A_28 : vector<64x1xf32> to vector<64x512xf32>
    %add3A_29 = vector.broadcast %get3A_20 : vector<1x512xf32> to vector<64x512xf32>
    %add3A_30 = arith.addf %add3A, %add3A_29 : vector<64x512xf32>
    %min3A = vector.broadcast %mul3A_25 : f32 to vector<64x512xf32>
    %min3A_31 = arith.minimumf %add3A_30, %min3A : vector<64x512xf32>
    %get3A_32 = arith.constant 0 : index
    %get3A_33 = arith.constant 0 : index
    %get3A_34 = vector.load %arg2[%get3A_32, %get3A_33] : memref<32x128xf32, #tpu.memory_space<vmem>>, vector<1x1xf32>
    %get3A_35 = vector.extract %get3A_34[0, 0] : f32 from vector<1x1xf32>
    %add3A_36 = vector.broadcast %get3A_35 : f32 to vector<64x512xf32>
    %add3A_37 = arith.addf %sub3A_11, %add3A_36 : vector<64x512xf32>
    %get3A_38 = arith.constant 0 : index
    %get3A_39 = arith.constant 1 : index
    %get3A_40 = vector.load %arg2[%get3A_38, %get3A_39] : memref<32x128xf32, #tpu.memory_space<vmem>>, vector<1x1xf32>
    %get3A_41 = vector.extract %get3A_40[0, 0] : f32 from vector<1x1xf32>
    %add3A_42 = vector.broadcast %get3A_41 : f32 to vector<64x512xf32>
    %add3A_43 = arith.addf %sub3A_14, %add3A_42 : vector<64x512xf32>
    %get3A_44 = arith.constant 0 : index
    %get3A_45 = arith.constant 2 : index
    %get3A_46 = vector.load %arg2[%get3A_44, %get3A_45] : memref<32x128xf32, #tpu.memory_space<vmem>>, vector<1x1xf32>
    %get3A_47 = vector.extract %get3A_46[0, 0] : f32 from vector<1x1xf32>
    %add3A_48 = vector.broadcast %get3A_47 : f32 to vector<64x512xf32>
    %add3A_49 = arith.addf %sub3A_17, %add3A_48 : vector<64x512xf32>
    %mul3A_50 = arith.mulf %add3A_37, %add3A_37 : vector<64x512xf32>
    %mul3A_51 = arith.mulf %add3A_43, %add3A_43 : vector<64x512xf32>
    %add3A_52 = arith.addf %mul3A_50, %mul3A_51 : vector<64x512xf32>
    %mul3A_53 = arith.mulf %add3A_49, %add3A_49 : vector<64x512xf32>
    %add3A_54 = arith.addf %add3A_52, %mul3A_53 : vector<64x512xf32>
    %sqrt3A = math.sqrt %add3A_54 : vector<64x512xf32>
    %le3A = arith.cmpf ole, %sqrt3A, %min3A_31 : vector<64x512xf32>
    %gt3A = arith.constant 9.99999993E-9 : f32
    %gt3A_55 = vector.broadcast %gt3A : f32 to vector<64x512xf32>
    %gt3A_56 = arith.cmpf ogt, %sqrt3A, %gt3A_55 : vector<64x512xf32>
    %and3A = arith.andi %le3A, %gt3A_56 : vector<64x512xi1>
    %jit3A = arith.constant 0.000000e+00 : f32
    %broadcast_in_dim3A = vector.broadcast %jit3A : f32 to vector<64x512xf32>
    %select_n3A = arith.select %and3A, %add3A_37, %broadcast_in_dim3A : vector<64x512xi1>, vector<64x512xf32>
    %swap3A = arith.constant 0 : index
    %swap3A_57 = arith.constant 0 : index
    %swap3A_58 = arith.constant 0 : index
    %swap3A_59 = arith.constant 0 : index
    %swap3A_60 = vector.load %arg6[%swap3A, %swap3A_57, %swap3A_58, %swap3A_59] : memref<27x3x64x512xf32, #tpu.memory_space<vmem>>, vector<1x1x64x512xf32>
    %swap3A_61 = vector.shape_cast %swap3A_60 : vector<1x1x64x512xf32> to vector<64x512xf32>
    %swap3A_62 = vector.shape_cast %select_n3A : vector<64x512xf32> to vector<1x1x64x512xf32>
    tpu.vector_store %arg6[%swap3A, %swap3A_57, %swap3A_58, %swap3A_59], %swap3A_62 {strides = array<i32>} : memref<27x3x64x512xf32, #tpu.memory_space<vmem>>, vector<1x1x64x512xf32>,
    %jit3A_63 = arith.constant 0.000000e+00 : f32
    %broadcast_in_dim3A_64 = vector.broadcast %jit3A_63 : f32 to vector<64x512xf32>
    %select_n3A_65 = arith.select %and3A, %add3A_43, %broadcast_in_dim3A_64 : vector<64x512xi1>, vector<64x512xf32>
    %swap3A_66 = arith.constant 0 : index
    %swap3A_67 = arith.constant 1 : index
    %swap3A_68 = arith.constant 0 : index
    %swap3A_69 = arith.constant 0 : index
    %swap3A_70 = vector.load %arg6[%swap3A_66, %swap3A_67, %swap3A_68, %swap3A_69] : memref<27x3x64x512xf32, #tpu.memory_space<vmem>>, vector<1x1x64x512xf32>
    %swap3A_71 = vector.shape_cast %swap3A_70 : vector<1x1x64x512xf32> to vector<64x512xf32>
    %swap3A_72 = vector.shape_cast %select_n3A_65 : vector<64x512xf32> to vector<1x1x64x512xf32>
    tpu.vector_store %arg6[%swap3A_66, %swap3A_67, %swap3A_68, %swap3A_69], %swap3A_72 {strides = array<i32>} : memref<27x3x64x512xf32, #tpu.memory_space<vmem>>, vector<1x1x64x512xf32>,
    %jit3A_73 = arith.constant 0.000000e+00 : f32
    %broadcast_in_dim3A_74 = vector.broadcast %jit3A_73 : f32 to vector<64x512xf32>
    %select_n3A_75 = arith.select %and3A, %add3A_49, %broadcast_in_dim3A_74 : vector<64x512xi1>, vector<64x512xf32>
    %swap3A_76 = arith.constant 0 : index
    %swap3A_77 = arith.constant 2 : index
    %swap3A_78 = arith.constant 0 : index
    %swap3A_79 = arith.constant 0 : index
    %swap3A_80 = vector.load %arg6[%swap3A_76, %swap3A_77, %swap3A_78, %swap3A_79] : memref<27x3x64x512xf32, #tpu.memory_space<vmem>>, vector<1x1x64x512xf32>
    %swap3A_81 = vector.shape_cast %swap3A_80 : vector<1x1x64x512xf32> to vector<64x512xf32>
    %swap3A_82 = vector.shape_cast %select_n3A_75 : vector<64x512xf32> to vector<1x1x64x512xf32>
    tpu.vector_store %arg6[%swap3A_76, %swap3A_77, %swap3A_78, %swap3A_79], %swap3A_82 {strides = array<i32>} : memref<27x3x64x512xf32, #tpu.memory_space<vmem>>, vector<1x1x64x512xf32>,
    %get3A_83 = arith.constant 1 : index
    %get3A_84 = arith.constant 0 : index
    %get3A_85 = vector.load %arg2[%get3A_83, %get3A_84] : memref<32x128xf32, #tpu.memory_space<vmem>>, vector<1x1xf32>
    %get3A_86 = vector.extract %get3A_85[0, 0] : f32 from vector<1x1xf32>
    %add3A_87 = vector.broadcast %get3A_86 : f32 to vector<64x512xf32>
    %add3A_88 = arith.addf %sub3A_11, %add3A_87 : vector<64x512xf32>
    %get3A_89 = arith.constant 1 : index
    %get3A_90 = arith.constant 1 : index
    %get3A_91 = vector.load %arg2[%get3A_89, %get3A_90] : memref<32x128xf32, #tpu.memory_space<vmem>>, vector<1x1xf32>
    %get3A_92 = vector.extract %get3A_91[0, 0] : f32 from vector<1x1xf32>
    %add3A_93 = vector.broadcast %get3A_92 : f32 to vector<64x512xf32>
    %add3A_94 = arith.addf %sub3A_14, %add3A_93 : vector<64x512xf32>
    %get3A_95 = arith.constant 1 : index
    %get3A_96 = arith.constant 2 : index
    %get3A_97 = vector.load %arg2[%get3A_95, %get3A_96] : memref<32x128xf32, #tpu.memory_space<vmem>>, vector<1x1xf32>
    %get3A_98 = vector.extract %get3A_97[0, 0] : f32 from vector<1x1xf32>
    %add3A_99 = vector.broadcast %get3A_98 : f32 to vector<64x512xf32>
    %add3A_100 = arith.addf %sub3A_17, %add3A_99 : vector<64x512xf32>
    %mul3A_101 = arith.mulf %add3A_88, %add3A_88 : vector<64x512xf32>
    %mul3A_102 = arith.mulf %add3A_94, %add3A_94 : vector<64x512xf32>
    %add3A_103 = arith.addf %mul3A_101, %mul3A_102 : vector<64x512xf32>
    %mul3A_104 = arith.mulf %add3A_100, %add3A_100 : vector<64x512xf32>
    %add3A_105 = arith.addf %add3A_103, %mul3A_104 : vector<64x512xf32>
    %sqrt3A_106 = math.sqrt %add3A_105 : vector<64x512xf32>
    %le3A_107 = arith.cmpf ole, %sqrt3A_106, %min3A_31 : vector<64x512xf32>
    %gt3A_108 = arith.constant 9.99999993E-9 : f32
    %gt3A_109 = vector.broadcast %gt3A_108 : f32 to vector<64x512xf32>
    %gt3A_110 = arith.cmpf ogt, %sqrt3A_106, %gt3A_109 : vector<64x512xf32>
    %and3A_111 = arith.andi %le3A_107, %gt3A_110 : vector<64x512xi1>
    %jit3A_112 = arith.constant 0.000000e+00 : f32
    %broadcast_in_dim3A_113 = vector.broadcast %jit3A_112 : f32 to vector<64x512xf32>
    %select_n3A_114 = arith.select %and3A_111, %add3A_88, %broadcast_in_dim3A_113 : vector<64x512xi1>, vector<64x512xf32>
    %swap3A_115 = arith.constant 1 : index
    %swap3A_116 = arith.constant 0 : index
    %swap3A_117 = arith.constant 0 : index
    %swap3A_118 = arith.constant 0 : index
    %swap3A_119 = vector.load %arg6[%swap3A_115, %swap3A_116, %swap3A_117, %swap3A_118] : memref<27x3x64x512xf32, #tpu.memory_space<vmem>>, vector<1x1x64x512xf32>
    %swap3A_120 = vector.shape_cast %swap3A_119 : vector<1x1x64x512xf32> to vector<64x512xf32>
    %swap3A_121 = vector.shape_cast %select_n3A_114 : vector<64x512xf32> to vector<1x1x64x512xf32>
    tpu.vector_store %arg6[%swap3A_115, %swap3A_116, %swap3A_117, %swap3A_118], %swap3A_121 {strides = array<i32>} : memref<27x3x64x512xf32, #tpu.memory_space<vmem>>, vector<1x1x64x512xf32>,
    %jit3A_122 = arith.constant 0.000000e+00 : f32
    %broadcast_in_dim3A_123 = vector.broadcast %jit3A_122 : f32 to vector<64x512xf32>
    %select_n3A_124 = arith.select %and3A_111, %add3A_94, %broadcast_in_dim3A_123 : vector<64x512xi1>, vector<64x512xf32>
    %swap3A_125 = arith.constant 1 : index
    %swap3A_126 = arith.constant 1 : index
    %swap3A_127 = arith.constant 0 : index
    %swap3A_128 = arith.constant 0 : index
    %swap3A_129 = vector.load %arg6[%swap3A_125, %swap3A_126, %swap3A_127, %swap3A_128] : memref<27x3x64x512xf32, #tpu.memory_space<vmem>>, vector<1x1x64x512xf32>
    %swap3A_130 = vector.shape_cast %swap3A_129 : vector<1x1x64x512xf32> to vector<64x512xf32>
    %swap3A_131 = vector.shape_cast %select_n3A_124 : vector<64x512xf32> to vector<1x1x64x512xf32>
    tpu.vector_store %arg6[%swap3A_125, %swap3A_126, %swap3A_127, %swap3A_128], %swap3A_131 {strides = array<i32>} : memref<27x3x64x512xf32, #tpu.memory_space<vmem>>, vector<1x1x64x512xf32>,
    %jit3A_132 = arith.constant 0.000000e+00 : f32
    %broadcast_in_dim3A_133 = vector.broadcast %jit3A_132 : f32 to vector<64x512xf32>
    %select_n3A_134 = arith.select %and3A_111, %add3A_100, %broadcast_in_dim3A_133 : vector<64x512xi1>, vector<64x512xf32>
    %swap3A_135 = arith.constant 1 : index
    %swap3A_136 = arith.constant 2 : index
    %swap3A_137 = arith.constant 0 : index
    %swap3A_138 = arith.constant 0 : index
    %swap3A_139 = vector.load %arg6[%swap3A_135, %swap3A_136, %swap3A_137, %swap3A_138] : memref<27x3x64x512xf32, #tpu.memory_space<vmem>>, vector<1x1x64x512xf32>
    %swap3A_140 = vector.shape_cast %swap3A_139 : vector<1x1x64x512xf32> to vector<64x512xf32>
    %swap3A_141 = vector.shape_cast %select_n3A_134 : vector<64x512xf32> to vector<1x1x64x512xf32>
    tpu.vector_store %arg6[%swap3A_135, %swap3A_136, %swap3A_137, %swap3A_138], %swap3A_141 {strides = array<i32>} : memref<27x3x64x512xf32, #tpu.memory_space<vmem>>, vector<1x1x64x512xf32>,
    %get3A_142 = arith.constant 2 : index
    %get3A_143 = arith.constant 0 : index
    %get3A_144 = vector.load %arg2[%get3A_142, %get3A_143] : memref<32x128xf32, #tpu.memory_space<vmem>>, vector<1x1xf32>
    %get3A_145 = vector.extract %get3A_144[0, 0] : f32 from vector<1x1xf32>
    %add3A_146 = vector.broadcast %get3A_145 : f32 to vector<64x512xf32>
    %add3A_147 = arith.addf %sub3A_11, %add3A_146 : vector<64x512xf32>
    %get3A_148 = arith.constant 2 : index
    %get3A_149 = arith.constant 1 : index
    %get3A_150 = vector.load %arg2[%get3A_148, %get3A_149] : memref<32x128xf32, #tpu.memory_space<vmem>>, vector<1x1xf32>
    %get3A_151 = vector.extract %get3A_150[0, 0] : f32 from vector<1x1xf32>
    %add3A_152 = vector.broadcast %get3A_151 : f32 to vector<64x512xf32>
    %add3A_153 = arith.addf %sub3A_14, %add3A_152 : vector<64x512xf32>
    %get3A_154 = arith.constant 2 : index
    %get3A_155 = arith.constant 2 : index
    %get3A_156 = vector.load %arg2[%get3A_154, %get3A_155] : memref<32x128xf32, #tpu.memory_space<vmem>>, vector<1x1xf32>
    %get3A_157 = vector.extract %get3A_156[0, 0] : f32 from vector<1x1xf32>
    %add3A_158 = vector.broadcast %get3A_157 : f32 to vector<64x512xf32>
    %add3A_159 = arith.addf %sub3A_17, %add3A_158 : vector<64x512xf32>
    %mul3A_160 = arith.mulf %add3A_147, %add3A_147 : vector<64x512xf32>
    %mul3A_161 = arith.mulf %add3A_153, %add3A_153 : vector<64x512xf32>
    %add3A_162 = arith.addf %mul3A_160, %mul3A_161 : vector<64x512xf32>
    %mul3A_163 = arith.mulf %add3A_159, %add3A_159 : vector<64x512xf32>
    %add3A_164 = arith.addf %add3A_162, %mul3A_163 : vector<64x512xf32>
    %sqrt3A_165 = math.sqrt %add3A_164 : vector<64x512xf32>
    %le3A_166 = arith.cmpf ole, %sqrt3A_165, %min3A_31 : vector<64x512xf32>
    %gt3A_167 = arith.constant 9.99999993E-9 : f32
    %gt3A_168 = vector.broadcast %gt3A_167 : f32 to vector<64x512xf32>
    %gt3A_169 = arith.cmpf ogt, %sqrt3A_165, %gt3A_168 : vector<64x512xf32>
    %and3A_170 = arith.andi %le3A_166, %gt3A_169 : vector<64x512xi1>
    %jit3A_171 = arith.constant 0.000000e+00 : f32
    %broadcast_in_dim3A_172 = vector.broadcast %jit3A_171 : f32 to vector<64x512xf32>
    %select_n3A_173 = arith.select %and3A_170, %add3A_147, %broadcast_in_dim3A_172 : vector<64x512xi1>, vector<64x512xf32>
    %swap3A_174 = arith.constant 2 : index
    %swap3A_175 = arith.constant 0 : index
    %swap3A_176 = arith.constant 0 : index
    %swap3A_177 = arith.constant 0 : index
    %swap3A_178 = vector.load %arg6[%swap3A_174, %swap3A_175, %swap3A_176, %swap3A_177] : memref<27x3x64x512xf32, #tpu.memory_space<vmem>>, vector<1x1x64x512xf32>
    %swap3A_179 = vector.shape_cast %swap3A_178 : vector<1x1x64x512xf32> to vector<64x512xf32>
    %swap3A_180 = vector.shape_cast %select_n3A_173 : vector<64x512xf32> to vector<1x1x64x512xf32>
    tpu.vector_store %arg6[%swap3A_174, %swap3A_175, %swap3A_176, %swap3A_177], %swap3A_180 {strides = array<i32>} : memref<27x3x64x512xf32, #tpu.memory_space<vmem>>, vector<1x1x64x512xf32>,
    %jit3A_181 = arith.constant 0.000000e+00 : f32
    %broadcast_in_dim3A_182 = vector.broadcast %jit3A_181 : f32 to vector<64x512xf32>
    %select_n3A_183 = arith.select %and3A_170, %add3A_153, %broadcast_in_dim3A_182 : vector<64x512xi1>, vector<64x512xf32>
    %swap3A_184 = arith.constant 2 : index
    %swap3A_185 = arith.constant 1 : index
    %swap3A_186 = arith.constant 0 : index
    %swap3A_187 = arith.constant 0 : index
    %swap3A_188 = vector.load %arg6[%swap3A_184, %swap3A_185, %swap3A_186, %swap3A_187] : memref<27x3x64x512xf32, #tpu.memory_space<vmem>>, vector<1x1x64x512xf32>
    %swap3A_189 = vector.shape_cast %swap3A_188 : vector<1x1x64x512xf32> to vector<64x512xf32>
    %swap3A_190 = vector.shape_cast %select_n3A_183 : vector<64x512xf32> to vector<1x1x64x512xf32>
    tpu.vector_store %arg6[%swap3A_184, %swap3A_185, %swap3A_186, %swap3A_187], %swap3A_190 {strides = array<i32>} : memref<27x3x64x512xf32, #tpu.memory_space<vmem>>, vector<1x1x64x512xf32>,
    %jit3A_191 = arith.constant 0.000000e+00 : f32
    %broadcast_in_dim3A_192 = vector.broadcast %jit3A_191 : f32 to vector<64x512xf32>
    %select_n3A_193 = arith.select %and3A_170, %add3A_159, %broadcast_in_dim3A_192 : vector<64x512xi1>, vector<64x512xf32>
    %swap3A_194 = arith.constant 2 : index
    %swap3A_195 = arith.constant 2 : index
    %swap3A_196 = arith.constant 0 : index
    %swap3A_197 = arith.constant 0 : index
    %swap3A_198 = vector.load %arg6[%swap3A_194, %swap3A_195, %swap3A_196, %swap3A_197] : memref<27x3x64x512xf32, #tpu.memory_space<vmem>>, vector<1x1x64x512xf32>
    %swap3A_199 = vector.shape_cast %swap3A_198 : vector<1x1x64x512xf32> to vector<64x512xf32>
    %swap3A_200 = vector.shape_cast %select_n3A_193 : vector<64x512xf32> to vector<1x1x64x512xf32>
    tpu.vector_store %arg6[%swap3A_194, %swap3A_195, %swap3A_196, %swap3A_197], %swap3A_200 {strides = array<i32>} : memref<27x3x64x512xf32, #tpu.memory_space<vmem>>, vector<1x1x64x512xf32>,
    %get3A_201 = arith.constant 3 : index
    %get3A_202 = arith.constant 0 : index
    %get3A_203 = vector.load %arg2[%get3A_201, %get3A_202] : memref<32x128xf32, #tpu.memory_space<vmem>>, vector<1x1xf32>
    %get3A_204 = vector.extract %get3A_203[0, 0] : f32 from vector<1x1xf32>
    %add3A_205 = vector.broadcast %get3A_204 : f32 to vector<64x512xf32>
    %add3A_206 = arith.addf %sub3A_11, %add3A_205 : vector<64x512xf32>
    %get3A_207 = arith.constant 3 : index
    %get3A_208 = arith.constant 1 : index
    %get3A_209 = vector.load %arg2[%get3A_207, %get3A_208] : memref<32x128xf32, #tpu.memory_space<vmem>>, vector<1x1xf32>
    %get3A_210 = vector.extract %get3A_209[0, 0] : f32 from vector<1x1xf32>
    %add3A_211 = vector.broadcast %get3A_210 : f32 to vector<64x512xf32>
    %add3A_212 = arith.addf %sub3A_14, %add3A_211 : vector<64x512xf32>
    %get3A_213 = arith.constant 3 : index
    %get3A_214 = arith.constant 2 : index
    %get3A_215 = vector.load %arg2[%get3A_213, %get3A_214] : memref<32x128xf32, #tpu.memory_space<vmem>>, vector<1x1xf32>
    %get3A_216 = vector.extract %get3A_215[0, 0] : f32 from vector<1x1xf32>
    %add3A_217 = vector.broadcast %get3A_216 : f32 to vector<64x512xf32>
    %add3A_218 = arith.addf %sub3A_17, %add3A_217 : vector<64x512xf32>
    %mul3A_219 = arith.mulf %add3A_206, %add3A_206 : vector<64x512xf32>
    %mul3A_220 = arith.mulf %add3A_212, %add3A_212 : vector<64x512xf32>
    %add3A_221 = arith.addf %mul3A_219, %mul3A_220 : vector<64x512xf32>
    %mul3A_222 = arith.mulf %add3A_218, %add3A_218 : vector<64x512xf32>
    %add3A_223 = arith.addf %add3A_221, %mul3A_222 : vector<64x512xf32>
    %sqrt3A_224 = math.sqrt %add3A_223 : vector<64x512xf32>
    %le3A_225 = arith.cmpf ole, %sqrt3A_224, %min3A_31 : vector<64x512xf32>
    %gt3A_226 = arith.constant 9.99999993E-9 : f32
    %gt3A_227 = vector.broadcast %gt3A_226 : f32 to vector<64x512xf32>
    %gt3A_228 = arith.cmpf ogt, %sqrt3A_224, %gt3A_227 : vector<64x512xf32>
    %and3A_229 = arith.andi %le3A_225, %gt3A_228 : vector<64x512xi1>
    %jit3A_230 = arith.constant 0.000000e+00 : f32
    %broadcast_in_dim3A_231 = vector.broadcast %jit3A_230 : f32 to vector<64x512xf32>
    %select_n3A_232 = arith.select %and3A_229, %add3A_206, %broadcast_in_dim3A_231 : vector<64x512xi1>, vector<64x512xf32>
    %swap3A_233 = arith.constant 3 : index
    %swap3A_234 = arith.constant 0 : index
    %swap3A_235 = arith.constant 0 : index
    %swap3A_236 = arith.constant 0 : index
    %swap3A_237 = vector.load %arg6[%swap3A_233, %swap3A_234, %swap3A_235, %swap3A_236] : memref<27x3x64x512xf32, #tpu.memory_space<vmem>>, vector<1x1x64x512xf32>
    %swap3A_238 = vector.shape_cast %swap3A_237 : vector<1x1x64x512xf32> to vector<64x512xf32>
    %swap3A_239 = vector.shape_cast %select_n3A_232 : vector<64x512xf32> to vector<1x1x64x512xf32>
    tpu.vector_store %arg6[%swap3A_233, %swap3A_234, %swap3A_235, %swap3A_236], %swap3A_239 {strides = array<i32>} : memref<27x3x64x512xf32, #tpu.memory_space<vmem>>, vector<1x1x64x512xf32>,
    %jit3A_240 = arith.constant 0.000000e+00 : f32
    %broadcast_in_dim3A_241 = vector.broadcast %jit3A_240 : f32 to vector<64x512xf32>
    %select_n3A_242 = arith.select %and3A_229, %add3A_212, %broadcast_in_dim3A_241 : vector<64x512xi1>, vector<64x512xf32>
    %swap3A_243 = arith.constant 3 : index
    %swap3A_244 = arith.constant 1 : index
    %swap3A_245 = arith.constant 0 : index
    %swap3A_246 = arith.constant 0 : index
    %swap3A_247 = vector.load %arg6[%swap3A_243, %swap3A_244, %swap3A_245, %swap3A_246] : memref<27x3x64x512xf32, #tpu.memory_space<vmem>>, vector<1x1x64x512xf32>
    %swap3A_248 = vector.shape_cast %swap3A_247 : vector<1x1x64x512xf32> to vector<64x512xf32>
    %swap3A_249 = vector.shape_cast %select_n3A_242 : vector<64x512xf32> to vector<1x1x64x512xf32>
    tpu.vector_store %arg6[%swap3A_243, %swap3A_244, %swap3A_245, %swap3A_246], %swap3A_249 {strides = array<i32>} : memref<27x3x64x512xf32, #tpu.memory_space<vmem>>, vector<1x1x64x512xf32>,
    %jit3A_250 = arith.constant 0.000000e+00 : f32
    %broadcast_in_dim3A_251 = vector.broadcast %jit3A_250 : f32 to vector<64x512xf32>
    %select_n3A_252 = arith.select %and3A_229, %add3A_218, %broadcast_in_dim3A_251 : vector<64x512xi1>, vector<64x512xf32>
    %swap3A_253 = arith.constant 3 : index
    %swap3A_254 = arith.constant 2 : index
    %swap3A_255 = arith.constant 0 : index
    %swap3A_256 = arith.constant 0 : index
    %swap3A_257 = vector.load %arg6[%swap3A_253, %swap3A_254, %swap3A_255, %swap3A_256] : memref<27x3x64x512xf32, #tpu.memory_space<vmem>>, vector<1x1x64x512xf32>
    %swap3A_258 = vector.shape_cast %swap3A_257 : vector<1x1x64x512xf32> to vector<64x512xf32>
    %swap3A_259 = vector.shape_cast %select_n3A_252 : vector<64x512xf32> to vector<1x1x64x512xf32>
    tpu.vector_store %arg6[%swap3A_253, %swap3A_254, %swap3A_255, %swap3A_256], %swap3A_259 {strides = array<i32>} : memref<27x3x64x512xf32, #tpu.memory_space<vmem>>, vector<1x1x64x512xf32>,
    %get3A_260 = arith.constant 4 : index
    %get3A_261 = arith.constant 0 : index
    %get3A_262 = vector.load %arg2[%get3A_260, %get3A_261] : memref<32x128xf32, #tpu.memory_space<vmem>>, vector<1x1xf32>
    %get3A_263 = vector.extract %get3A_262[0, 0] : f32 from vector<1x1xf32>
    %add3A_264 = vector.broadcast %get3A_263 : f32 to vector<64x512xf32>
    %add3A_265 = arith.addf %sub3A_11, %add3A_264 : vector<64x512xf32>
    %get3A_266 = arith.constant 4 : index
    %get3A_267 = arith.constant 1 : index
    %get3A_268 = vector.load %arg2[%get3A_266, %get3A_267] : memref<32x128xf32, #tpu.memory_space<vmem>>, vector<1x1xf32>
    %get3A_269 = vector.extract %get3A_268[0, 0] : f32 from vector<1x1xf32>
    %add3A_270 = vector.broadcast %get3A_269 : f32 to vector<64x512xf32>
    %add3A_271 = arith.addf %sub3A_14, %add3A_270 : vector<64x512xf32>
    %get3A_272 = arith.constant 4 : index
    %get3A_273 = arith.constant 2 : index
    %get3A_274 = vector.load %arg2[%get3A_272, %get3A_273] : memref<32x128xf32, #tpu.memory_space<vmem>>, vector<1x1xf32>
    %get3A_275 = vector.extract %get3A_274[0, 0] : f32 from vector<1x1xf32>
    %add3A_276 = vector.broadcast %get3A_275 : f32 to vector<64x512xf32>
    %add3A_277 = arith.addf %sub3A_17, %add3A_276 : vector<64x512xf32>
    %mul3A_278 = arith.mulf %add3A_265, %add3A_265 : vector<64x512xf32>
    %mul3A_279 = arith.mulf %add3A_271, %add3A_271 : vector<64x512xf32>
    %add3A_280 = arith.addf %mul3A_278, %mul3A_279 : vector<64x512xf32>
    %mul3A_281 = arith.mulf %add3A_277, %add3A_277 : vector<64x512xf32>
    %add3A_282 = arith.addf %add3A_280, %mul3A_281 : vector<64x512xf32>
    %sqrt3A_283 = math.sqrt %add3A_282 : vector<64x512xf32>
    %le3A_284 = arith.cmpf ole, %sqrt3A_283, %min3A_31 : vector<64x512xf32>
    %gt3A_285 = arith.constant 9.99999993E-9 : f32
    %gt3A_286 = vector.broadcast %gt3A_285 : f32 to vector<64x512xf32>
    %gt3A_287 = arith.cmpf ogt, %sqrt3A_283, %gt3A_286 : vector<64x512xf32>
    %and3A_288 = arith.andi %le3A_284, %gt3A_287 : vector<64x512xi1>
    %jit3A_289 = arith.constant 0.000000e+00 : f32
    %broadcast_in_dim3A_290 = vector.broadcast %jit3A_289 : f32 to vector<64x512xf32>
    %select_n3A_291 = arith.select %and3A_288, %add3A_265, %broadcast_in_dim3A_290 : vector<64x512xi1>, vector<64x512xf32>
    %swap3A_292 = arith.constant 4 : index
    %swap3A_293 = arith.constant 0 : index
    %swap3A_294 = arith.constant 0 : index
    %swap3A_295 = arith.constant 0 : index
    %swap3A_296 = vector.load %arg6[%swap3A_292, %swap3A_293, %swap3A_294, %swap3A_295] : memref<27x3x64x512xf32, #tpu.memory_space<vmem>>, vector<1x1x64x512xf32>
    %swap3A_297 = vector.shape_cast %swap3A_296 : vector<1x1x64x512xf32> to vector<64x512xf32>
    %swap3A_298 = vector.shape_cast %select_n3A_291 : vector<64x512xf32> to vector<1x1x64x512xf32>
    tpu.vector_store %arg6[%swap3A_292, %swap3A_293, %swap3A_294, %swap3A_295], %swap3A_298 {strides = array<i32>} : memref<27x3x64x512xf32, #tpu.memory_space<vmem>>, vector<1x1x64x512xf32>,
    %jit3A_299 = arith.constant 0.000000e+00 : f32
    %broadcast_in_dim3A_300 = vector.broadcast %jit3A_299 : f32 to vector<64x512xf32>
    %select_n3A_301 = arith.select %and3A_288, %add3A_271, %broadcast_in_dim3A_300 : vector<64x512xi1>, vector<64x512xf32>
    %swap3A_302 = arith.constant 4 : index
    %swap3A_303 = arith.constant 1 : index
    %swap3A_304 = arith.constant 0 : index
    %swap3A_305 = arith.constant 0 : index
    %swap3A_306 = vector.load %arg6[%swap3A_302, %swap3A_303, %swap3A_304, %swap3A_305] : memref<27x3x64x512xf32, #tpu.memory_space<vmem>>, vector<1x1x64x512xf32>
    %swap3A_307 = vector.shape_cast %swap3A_306 : vector<1x1x64x512xf32> to vector<64x512xf32>
    %swap3A_308 = vector.shape_cast %select_n3A_301 : vector<64x512xf32> to vector<1x1x64x512xf32>
    tpu.vector_store %arg6[%swap3A_302, %swap3A_303, %swap3A_304, %swap3A_305], %swap3A_308 {strides = array<i32>} : memref<27x3x64x512xf32, #tpu.memory_space<vmem>>, vector<1x1x64x512xf32>,
    %jit3A_309 = arith.constant 0.000000e+00 : f32
    %broadcast_in_dim3A_310 = vector.broadcast %jit3A_309 : f32 to vector<64x512xf32>
    %select_n3A_311 = arith.select %and3A_288, %add3A_277, %broadcast_in_dim3A_310 : vector<64x512xi1>, vector<64x512xf32>
    %swap3A_312 = arith.constant 4 : index
    %swap3A_313 = arith.constant 2 : index
    %swap3A_314 = arith.constant 0 : index
    %swap3A_315 = arith.constant 0 : index
    %swap3A_316 = vector.load %arg6[%swap3A_312, %swap3A_313, %swap3A_314, %swap3A_315] : memref<27x3x64x512xf32, #tpu.memory_space<vmem>>, vector<1x1x64x512xf32>
    %swap3A_317 = vector.shape_cast %swap3A_316 : vector<1x1x64x512xf32> to vector<64x512xf32>
    %swap3A_318 = vector.shape_cast %select_n3A_311 : vector<64x512xf32> to vector<1x1x64x512xf32>
    tpu.vector_store %arg6[%swap3A_312, %swap3A_313, %swap3A_314, %swap3A_315], %swap3A_318 {strides = array<i32>} : memref<27x3x64x512xf32, #tpu.memory_space<vmem>>, vector<1x1x64x512xf32>,
    %get3A_319 = arith.constant 5 : index
    %get3A_320 = arith.constant 0 : index
    %get3A_321 = vector.load %arg2[%get3A_319, %get3A_320] : memref<32x128xf32, #tpu.memory_space<vmem>>, vector<1x1xf32>
    %get3A_322 = vector.extract %get3A_321[0, 0] : f32 from vector<1x1xf32>
    %add3A_323 = vector.broadcast %get3A_322 : f32 to vector<64x512xf32>
    %add3A_324 = arith.addf %sub3A_11, %add3A_323 : vector<64x512xf32>
    %get3A_325 = arith.constant 5 : index
    %get3A_326 = arith.constant 1 : index
    %get3A_327 = vector.load %arg2[%get3A_325, %get3A_326] : memref<32x128xf32, #tpu.memory_space<vmem>>, vector<1x1xf32>
    %get3A_328 = vector.extract %get3A_327[0, 0] : f32 from vector<1x1xf32>
    %add3A_329 = vector.broadcast %get3A_328 : f32 to vector<64x512xf32>
    %add3A_330 = arith.addf %sub3A_14, %add3A_329 : vector<64x512xf32>
    %get3A_331 = arith.constant 5 : index
    %get3A_332 = arith.constant 2 : index
    %get3A_333 = vector.load %arg2[%get3A_331, %get3A_332] : memref<32x128xf32, #tpu.memory_space<vmem>>, vector<1x1xf32>
    %get3A_334 = vector.extract %get3A_333[0, 0] : f32 from vector<1x1xf32>
    %add3A_335 = vector.broadcast %get3A_334 : f32 to vector<64x512xf32>
    %add3A_336 = arith.addf %sub3A_17, %add3A_335 : vector<64x512xf32>
    %mul3A_337 = arith.mulf %add3A_324, %add3A_324 : vector<64x512xf32>
    %mul3A_338 = arith.mulf %add3A_330, %add3A_330 : vector<64x512xf32>
    %add3A_339 = arith.addf %mul3A_337, %mul3A_338 : vector<64x512xf32>
    %mul3A_340 = arith.mulf %add3A_336, %add3A_336 : vector<64x512xf32>
    %add3A_341 = arith.addf %add3A_339, %mul3A_340 : vector<64x512xf32>
    %sqrt3A_342 = math.sqrt %add3A_341 : vector<64x512xf32>
    %le3A_343 = arith.cmpf ole, %sqrt3A_342, %min3A_31 : vector<64x512xf32>
    %gt3A_344 = arith.constant 9.99999993E-9 : f32
    %gt3A_345 = vector.broadcast %gt3A_344 : f32 to vector<64x512xf32>
    %gt3A_346 = arith.cmpf ogt, %sqrt3A_342, %gt3A_345 : vector<64x512xf32>
    %and3A_347 = arith.andi %le3A_343, %gt3A_346 : vector<64x512xi1>
    %jit3A_348 = arith.constant 0.000000e+00 : f32
    %broadcast_in_dim3A_349 = vector.broadcast %jit3A_348 : f32 to vector<64x512xf32>
    %select_n3A_350 = arith.select %and3A_347, %add3A_324, %broadcast_in_dim3A_349 : vector<64x512xi1>, vector<64x512xf32>
    %swap3A_351 = arith.constant 5 : index
    %swap3A_352 = arith.constant 0 : index
    %swap3A_353 = arith.constant 0 : index
    %swap3A_354 = arith.constant 0 : index
    %swap3A_355 = vector.load %arg6[%swap3A_351, %swap3A_352, %swap3A_353, %swap3A_354] : memref<27x3x64x512xf32, #tpu.memory_space<vmem>>, vector<1x1x64x512xf32>
    %swap3A_356 = vector.shape_cast %swap3A_355 : vector<1x1x64x512xf32> to vector<64x512xf32>
    %swap3A_357 = vector.shape_cast %select_n3A_350 : vector<64x512xf32> to vector<1x1x64x512xf32>
    tpu.vector_store %arg6[%swap3A_351, %swap3A_352, %swap3A_353, %swap3A_354], %swap3A_357 {strides = array<i32>} : memref<27x3x64x512xf32, #tpu.memory_space<vmem>>, vector<1x1x64x512xf32>,
    %jit3A_358 = arith.constant 0.000000e+00 : f32
    %broadcast_in_dim3A_359 = vector.broadcast %jit3A_358 : f32 to vector<64x512xf32>
    %select_n3A_360 = arith.select %and3A_347, %add3A_330, %broadcast_in_dim3A_359 : vector<64x512xi1>, vector<64x512xf32>
    %swap3A_361 = arith.constant 5 : index
    %swap3A_362 = arith.constant 1 : index
    %swap3A_363 = arith.constant 0 : index
    %swap3A_364 = arith.constant 0 : index
    %swap3A_365 = vector.load %arg6[%swap3A_361, %swap3A_362, %swap3A_363, %swap3A_364] : memref<27x3x64x512xf32, #tpu.memory_space<vmem>>, vector<1x1x64x512xf32>
    %swap3A_366 = vector.shape_cast %swap3A_365 : vector<1x1x64x512xf32> to vector<64x512xf32>
    %swap3A_367 = vector.shape_cast %select_n3A_360 : vector<64x512xf32> to vector<1x1x64x512xf32>
    tpu.vector_store %arg6[%swap3A_361, %swap3A_362, %swap3A_363, %swap3A_364], %swap3A_367 {strides = array<i32>} : memref<27x3x64x512xf32, #tpu.memory_space<vmem>>, vector<1x1x64x512xf32>,
    %jit3A_368 = arith.constant 0.000000e+00 : f32
    %broadcast_in_dim3A_369 = vector.broadcast %jit3A_368 : f32 to vector<64x512xf32>
    %select_n3A_370 = arith.select %and3A_347, %add3A_336, %broadcast_in_dim3A_369 : vector<64x512xi1>, vector<64x512xf32>
    %swap3A_371 = arith.constant 5 : index
    %swap3A_372 = arith.constant 2 : index
    %swap3A_373 = arith.constant 0 : index
    %swap3A_374 = arith.constant 0 : index
    %swap3A_375 = vector.load %arg6[%swap3A_371, %swap3A_372, %swap3A_373, %swap3A_374] : memref<27x3x64x512xf32, #tpu.memory_space<vmem>>, vector<1x1x64x512xf32>
    %swap3A_376 = vector.shape_cast %swap3A_375 : vector<1x1x64x512xf32> to vector<64x512xf32>
    %swap3A_377 = vector.shape_cast %select_n3A_370 : vector<64x512xf32> to vector<1x1x64x512xf32>
    tpu.vector_store %arg6[%swap3A_371, %swap3A_372, %swap3A_373, %swap3A_374], %swap3A_377 {strides = array<i32>} : memref<27x3x64x512xf32, #tpu.memory_space<vmem>>, vector<1x1x64x512xf32>,
    %get3A_378 = arith.constant 6 : index
    %get3A_379 = arith.constant 0 : index
    %get3A_380 = vector.load %arg2[%get3A_378, %get3A_379] : memref<32x128xf32, #tpu.memory_space<vmem>>, vector<1x1xf32>
    %get3A_381 = vector.extract %get3A_380[0, 0] : f32 from vector<1x1xf32>
    %add3A_382 = vector.broadcast %get3A_381 : f32 to vector<64x512xf32>
    %add3A_383 = arith.addf %sub3A_11, %add3A_382 : vector<64x512xf32>
    %get3A_384 = arith.constant 6 : index
    %get3A_385 = arith.constant 1 : index
    %get3A_386 = vector.load %arg2[%get3A_384, %get3A_385] : memref<32x128xf32, #tpu.memory_space<vmem>>, vector<1x1xf32>
    %get3A_387 = vector.extract %get3A_386[0, 0] : f32 from vector<1x1xf32>
    %add3A_388 = vector.broadcast %get3A_387 : f32 to vector<64x512xf32>
    %add3A_389 = arith.addf %sub3A_14, %add3A_388 : vector<64x512xf32>
    %get3A_390 = arith.constant 6 : index
    %get3A_391 = arith.constant 2 : index
    %get3A_392 = vector.load %arg2[%get3A_390, %get3A_391] : memref<32x128xf32, #tpu.memory_space<vmem>>, vector<1x1xf32>
    %get3A_393 = vector.extract %get3A_392[0, 0] : f32 from vector<1x1xf32>
    %add3A_394 = vector.broadcast %get3A_393 : f32 to vector<64x512xf32>
    %add3A_395 = arith.addf %sub3A_17, %add3A_394 : vector<64x512xf32>
    %mul3A_396 = arith.mulf %add3A_383, %add3A_383 : vector<64x512xf32>
    %mul3A_397 = arith.mulf %add3A_389, %add3A_389 : vector<64x512xf32>
    %add3A_398 = arith.addf %mul3A_396, %mul3A_397 : vector<64x512xf32>
    %mul3A_399 = arith.mulf %add3A_395, %add3A_395 : vector<64x512xf32>
    %add3A_400 = arith.addf %add3A_398, %mul3A_399 : vector<64x512xf32>
    %sqrt3A_401 = math.sqrt %add3A_400 : vector<64x512xf32>
    %le3A_402 = arith.cmpf ole, %sqrt3A_401, %min3A_31 : vector<64x512xf32>
    %gt3A_403 = arith.constant 9.99999993E-9 : f32
    %gt3A_404 = vector.broadcast %gt3A_403 : f32 to vector<64x512xf32>
    %gt3A_405 = arith.cmpf ogt, %sqrt3A_401, %gt3A_404 : vector<64x512xf32>
    %and3A_406 = arith.andi %le3A_402, %gt3A_405 : vector<64x512xi1>
    %jit3A_407 = arith.constant 0.000000e+00 : f32
    %broadcast_in_dim3A_408 = vector.broadcast %jit3A_407 : f32 to vector<64x512xf32>
    %select_n3A_409 = arith.select %and3A_406, %add3A_383, %broadcast_in_dim3A_408 : vector<64x512xi1>, vector<64x512xf32>
    %swap3A_410 = arith.constant 6 : index
    %swap3A_411 = arith.constant 0 : index
    %swap3A_412 = arith.constant 0 : index
    %swap3A_413 = arith.constant 0 : index
    %swap3A_414 = vector.load %arg6[%swap3A_410, %swap3A_411, %swap3A_412, %swap3A_413] : memref<27x3x64x512xf32, #tpu.memory_space<vmem>>, vector<1x1x64x512xf32>
    %swap3A_415 = vector.shape_cast %swap3A_414 : vector<1x1x64x512xf32> to vector<64x512xf32>
    %swap3A_416 = vector.shape_cast %select_n3A_409 : vector<64x512xf32> to vector<1x1x64x512xf32>
    tpu.vector_store %arg6[%swap3A_410, %swap3A_411, %swap3A_412, %swap3A_413], %swap3A_416 {strides = array<i32>} : memref<27x3x64x512xf32, #tpu.memory_space<vmem>>, vector<1x1x64x512xf32>,
    %jit3A_417 = arith.constant 0.000000e+00 : f32
    %broadcast_in_dim3A_418 = vector.broadcast %jit3A_417 : f32 to vector<64x512xf32>
    %select_n3A_419 = arith.select %and3A_406, %add3A_389, %broadcast_in_dim3A_418 : vector<64x512xi1>, vector<64x512xf32>
    %swap3A_420 = arith.constant 6 : index
    %swap3A_421 = arith.constant 1 : index
    %swap3A_422 = arith.constant 0 : index
    %swap3A_423 = arith.constant 0 : index
    %swap3A_424 = vector.load %arg6[%swap3A_420, %swap3A_421, %swap3A_422, %swap3A_423] : memref<27x3x64x512xf32, #tpu.memory_space<vmem>>, vector<1x1x64x512xf32>
    %swap3A_425 = vector.shape_cast %swap3A_424 : vector<1x1x64x512xf32> to vector<64x512xf32>
    %swap3A_426 = vector.shape_cast %select_n3A_419 : vector<64x512xf32> to vector<1x1x64x512xf32>
    tpu.vector_store %arg6[%swap3A_420, %swap3A_421, %swap3A_422, %swap3A_423], %swap3A_426 {strides = array<i32>} : memref<27x3x64x512xf32, #tpu.memory_space<vmem>>, vector<1x1x64x512xf32>,
    %jit3A_427 = arith.constant 0.000000e+00 : f32
    %broadcast_in_dim3A_428 = vector.broadcast %jit3A_427 : f32 to vector<64x512xf32>
    %select_n3A_429 = arith.select %and3A_406, %add3A_395, %broadcast_in_dim3A_428 : vector<64x512xi1>, vector<64x512xf32>
    %swap3A_430 = arith.constant 6 : index
    %swap3A_431 = arith.constant 2 : index
    %swap3A_432 = arith.constant 0 : index
    %swap3A_433 = arith.constant 0 : index
    %swap3A_434 = vector.load %arg6[%swap3A_430, %swap3A_431, %swap3A_432, %swap3A_433] : memref<27x3x64x512xf32, #tpu.memory_space<vmem>>, vector<1x1x64x512xf32>
    %swap3A_435 = vector.shape_cast %swap3A_434 : vector<1x1x64x512xf32> to vector<64x512xf32>
    %swap3A_436 = vector.shape_cast %select_n3A_429 : vector<64x512xf32> to vector<1x1x64x512xf32>
    tpu.vector_store %arg6[%swap3A_430, %swap3A_431, %swap3A_432, %swap3A_433], %swap3A_436 {strides = array<i32>} : memref<27x3x64x512xf32, #tpu.memory_space<vmem>>, vector<1x1x64x512xf32>,
    %get3A_437 = arith.constant 7 : index
    %get3A_438 = arith.constant 0 : index
    %get3A_439 = vector.load %arg2[%get3A_437, %get3A_438] : memref<32x128xf32, #tpu.memory_space<vmem>>, vector<1x1xf32>
    %get3A_440 = vector.extract %get3A_439[0, 0] : f32 from vector<1x1xf32>
    %add3A_441 = vector.broadcast %get3A_440 : f32 to vector<64x512xf32>
    %add3A_442 = arith.addf %sub3A_11, %add3A_441 : vector<64x512xf32>
    %get3A_443 = arith.constant 7 : index
    %get3A_444 = arith.constant 1 : index
    %get3A_445 = vector.load %arg2[%get3A_443, %get3A_444] : memref<32x128xf32, #tpu.memory_space<vmem>>, vector<1x1xf32>
    %get3A_446 = vector.extract %get3A_445[0, 0] : f32 from vector<1x1xf32>
    %add3A_447 = vector.broadcast %get3A_446 : f32 to vector<64x512xf32>
    %add3A_448 = arith.addf %sub3A_14, %add3A_447 : vector<64x512xf32>
    %get3A_449 = arith.constant 7 : index
    %get3A_450 = arith.constant 2 : index
    %get3A_451 = vector.load %arg2[%get3A_449, %get3A_450] : memref<32x128xf32, #tpu.memory_space<vmem>>, vector<1x1xf32>
    %get3A_452 = vector.extract %get3A_451[0, 0] : f32 from vector<1x1xf32>
    %add3A_453 = vector.broadcast %get3A_452 : f32 to vector<64x512xf32>
    %add3A_454 = arith.addf %sub3A_17, %add3A_453 : vector<64x512xf32>
    %mul3A_455 = arith.mulf %add3A_442, %add3A_442 : vector<64x512xf32>
    %mul3A_456 = arith.mulf %add3A_448, %add3A_448 : vector<64x512xf32>
    %add3A_457 = arith.addf %mul3A_455, %mul3A_456 : vector<64x512xf32>
    %mul3A_458 = arith.mulf %add3A_454, %add3A_454 : vector<64x512xf32>
    %add3A_459 = arith.addf %add3A_457, %mul3A_458 : vector<64x512xf32>
    %sqrt3A_460 = math.sqrt %add3A_459 : vector<64x512xf32>
    %le3A_461 = arith.cmpf ole, %sqrt3A_460, %min3A_31 : vector<64x512xf32>
    %gt3A_462 = arith.constant 9.99999993E-9 : f32
    %gt3A_463 = vector.broadcast %gt3A_462 : f32 to vector<64x512xf32>
    %gt3A_464 = arith.cmpf ogt, %sqrt3A_460, %gt3A_463 : vector<64x512xf32>
    %and3A_465 = arith.andi %le3A_461, %gt3A_464 : vector<64x512xi1>
    %jit3A_466 = arith.constant 0.000000e+00 : f32
    %broadcast_in_dim3A_467 = vector.broadcast %jit3A_466 : f32 to vector<64x512xf32>
    %select_n3A_468 = arith.select %and3A_465, %add3A_442, %broadcast_in_dim3A_467 : vector<64x512xi1>, vector<64x512xf32>
    %swap3A_469 = arith.constant 7 : index
    %swap3A_470 = arith.constant 0 : index
    %swap3A_471 = arith.constant 0 : index
    %swap3A_472 = arith.constant 0 : index
    %swap3A_473 = vector.load %arg6[%swap3A_469, %swap3A_470, %swap3A_471, %swap3A_472] : memref<27x3x64x512xf32, #tpu.memory_space<vmem>>, vector<1x1x64x512xf32>
    %swap3A_474 = vector.shape_cast %swap3A_473 : vector<1x1x64x512xf32> to vector<64x512xf32>
    %swap3A_475 = vector.shape_cast %select_n3A_468 : vector<64x512xf32> to vector<1x1x64x512xf32>
    tpu.vector_store %arg6[%swap3A_469, %swap3A_470, %swap3A_471, %swap3A_472], %swap3A_475 {strides = array<i32>} : memref<27x3x64x512xf32, #tpu.memory_space<vmem>>, vector<1x1x64x512xf32>,
    %jit3A_476 = arith.constant 0.000000e+00 : f32
    %broadcast_in_dim3A_477 = vector.broadcast %jit3A_476 : f32 to vector<64x512xf32>
    %select_n3A_478 = arith.select %and3A_465, %add3A_448, %broadcast_in_dim3A_477 : vector<64x512xi1>, vector<64x512xf32>
    %swap3A_479 = arith.constant 7 : index
    %swap3A_480 = arith.constant 1 : index
    %swap3A_481 = arith.constant 0 : index
    %swap3A_482 = arith.constant 0 : index
    %swap3A_483 = vector.load %arg6[%swap3A_479, %swap3A_480, %swap3A_481, %swap3A_482] : memref<27x3x64x512xf32, #tpu.memory_space<vmem>>, vector<1x1x64x512xf32>
    %swap3A_484 = vector.shape_cast %swap3A_483 : vector<1x1x64x512xf32> to vector<64x512xf32>
    %swap3A_485 = vector.shape_cast %select_n3A_478 : vector<64x512xf32> to vector<1x1x64x512xf32>
    tpu.vector_store %arg6[%swap3A_479, %swap3A_480, %swap3A_481, %swap3A_482], %swap3A_485 {strides = array<i32>} : memref<27x3x64x512xf32, #tpu.memory_space<vmem>>, vector<1x1x64x512xf32>,
    %jit3A_486 = arith.constant 0.000000e+00 : f32
    %broadcast_in_dim3A_487 = vector.broadcast %jit3A_486 : f32 to vector<64x512xf32>
    %select_n3A_488 = arith.select %and3A_465, %add3A_454, %broadcast_in_dim3A_487 : vector<64x512xi1>, vector<64x512xf32>
    %swap3A_489 = arith.constant 7 : index
    %swap3A_490 = arith.constant 2 : index
    %swap3A_491 = arith.constant 0 : index
    %swap3A_492 = arith.constant 0 : index
    %swap3A_493 = vector.load %arg6[%swap3A_489, %swap3A_490, %swap3A_491, %swap3A_492] : memref<27x3x64x512xf32, #tpu.memory_space<vmem>>, vector<1x1x64x512xf32>
    %swap3A_494 = vector.shape_cast %swap3A_493 : vector<1x1x64x512xf32> to vector<64x512xf32>
    %swap3A_495 = vector.shape_cast %select_n3A_488 : vector<64x512xf32> to vector<1x1x64x512xf32>
    tpu.vector_store %arg6[%swap3A_489, %swap3A_490, %swap3A_491, %swap3A_492], %swap3A_495 {strides = array<i32>} : memref<27x3x64x512xf32, #tpu.memory_space<vmem>>, vector<1x1x64x512xf32>,
    %get3A_496 = arith.constant 8 : index
    %get3A_497 = arith.constant 0 : index
    %get3A_498 = vector.load %arg2[%get3A_496, %get3A_497] : memref<32x128xf32, #tpu.memory_space<vmem>>, vector<1x1xf32>
    %get3A_499 = vector.extract %get3A_498[0, 0] : f32 from vector<1x1xf32>
    %add3A_500 = vector.broadcast %get3A_499 : f32 to vector<64x512xf32>
    %add3A_501 = arith.addf %sub3A_11, %add3A_500 : vector<64x512xf32>
    %get3A_502 = arith.constant 8 : index
    %get3A_503 = arith.constant 1 : index
    %get3A_504 = vector.load %arg2[%get3A_502, %get3A_503] : memref<32x128xf32, #tpu.memory_space<vmem>>, vector<1x1xf32>
    %get3A_505 = vector.extract %get3A_504[0, 0] : f32 from vector<1x1xf32>
    %add3A_506 = vector.broadcast %get3A_505 : f32 to vector<64x512xf32>
    %add3A_507 = arith.addf %sub3A_14, %add3A_506 : vector<64x512xf32>
    %get3A_508 = arith.constant 8 : index
    %get3A_509 = arith.constant 2 : index
    %get3A_510 = vector.load %arg2[%get3A_508, %get3A_509] : memref<32x128xf32, #tpu.memory_space<vmem>>, vector<1x1xf32>
    %get3A_511 = vector.extract %get3A_510[0, 0] : f32 from vector<1x1xf32>
    %add3A_512 = vector.broadcast %get3A_511 : f32 to vector<64x512xf32>
    %add3A_513 = arith.addf %sub3A_17, %add3A_512 : vector<64x512xf32>
    %mul3A_514 = arith.mulf %add3A_501, %add3A_501 : vector<64x512xf32>
    %mul3A_515 = arith.mulf %add3A_507, %add3A_507 : vector<64x512xf32>
    %add3A_516 = arith.addf %mul3A_514, %mul3A_515 : vector<64x512xf32>
    %mul3A_517 = arith.mulf %add3A_513, %add3A_513 : vector<64x512xf32>
    %add3A_518 = arith.addf %add3A_516, %mul3A_517 : vector<64x512xf32>
    %sqrt3A_519 = math.sqrt %add3A_518 : vector<64x512xf32>
    %le3A_520 = arith.cmpf ole, %sqrt3A_519, %min3A_31 : vector<64x512xf32>
    %gt3A_521 = arith.constant 9.99999993E-9 : f32
    %gt3A_522 = vector.broadcast %gt3A_521 : f32 to vector<64x512xf32>
    %gt3A_523 = arith.cmpf ogt, %sqrt3A_519, %gt3A_522 : vector<64x512xf32>
    %and3A_524 = arith.andi %le3A_520, %gt3A_523 : vector<64x512xi1>
    %jit3A_525 = arith.constant 0.000000e+00 : f32
    %broadcast_in_dim3A_526 = vector.broadcast %jit3A_525 : f32 to vector<64x512xf32>
    %select_n3A_527 = arith.select %and3A_524, %add3A_501, %broadcast_in_dim3A_526 : vector<64x512xi1>, vector<64x512xf32>
    %swap3A_528 = arith.constant 8 : index
    %swap3A_529 = arith.constant 0 : index
    %swap3A_530 = arith.constant 0 : index
    %swap3A_531 = arith.constant 0 : index
    %swap3A_532 = vector.load %arg6[%swap3A_528, %swap3A_529, %swap3A_530, %swap3A_531] : memref<27x3x64x512xf32, #tpu.memory_space<vmem>>, vector<1x1x64x512xf32>
    %swap3A_533 = vector.shape_cast %swap3A_532 : vector<1x1x64x512xf32> to vector<64x512xf32>
    %swap3A_534 = vector.shape_cast %select_n3A_527 : vector<64x512xf32> to vector<1x1x64x512xf32>
    tpu.vector_store %arg6[%swap3A_528, %swap3A_529, %swap3A_530, %swap3A_531], %swap3A_534 {strides = array<i32>} : memref<27x3x64x512xf32, #tpu.memory_space<vmem>>, vector<1x1x64x512xf32>,
    %jit3A_535 = arith.constant 0.000000e+00 : f32
    %broadcast_in_dim3A_536 = vector.broadcast %jit3A_535 : f32 to vector<64x512xf32>
    %select_n3A_537 = arith.select %and3A_524, %add3A_507, %broadcast_in_dim3A_536 : vector<64x512xi1>, vector<64x512xf32>
    %swap3A_538 = arith.constant 8 : index
    %swap3A_539 = arith.constant 1 : index
    %swap3A_540 = arith.constant 0 : index
    %swap3A_541 = arith.constant 0 : index
    %swap3A_542 = vector.load %arg6[%swap3A_538, %swap3A_539, %swap3A_540, %swap3A_541] : memref<27x3x64x512xf32, #tpu.memory_space<vmem>>, vector<1x1x64x512xf32>
    %swap3A_543 = vector.shape_cast %swap3A_542 : vector<1x1x64x512xf32> to vector<64x512xf32>
    %swap3A_544 = vector.shape_cast %select_n3A_537 : vector<64x512xf32> to vector<1x1x64x512xf32>
    tpu.vector_store %arg6[%swap3A_538, %swap3A_539, %swap3A_540, %swap3A_541], %swap3A_544 {strides = array<i32>} : memref<27x3x64x512xf32, #tpu.memory_space<vmem>>, vector<1x1x64x512xf32>,
    %jit3A_545 = arith.constant 0.000000e+00 : f32
    %broadcast_in_dim3A_546 = vector.broadcast %jit3A_545 : f32 to vector<64x512xf32>
    %select_n3A_547 = arith.select %and3A_524, %add3A_513, %broadcast_in_dim3A_546 : vector<64x512xi1>, vector<64x512xf32>
    %swap3A_548 = arith.constant 8 : index
    %swap3A_549 = arith.constant 2 : index
    %swap3A_550 = arith.constant 0 : index
    %swap3A_551 = arith.constant 0 : index
    %swap3A_552 = vector.load %arg6[%swap3A_548, %swap3A_549, %swap3A_550, %swap3A_551] : memref<27x3x64x512xf32, #tpu.memory_space<vmem>>, vector<1x1x64x512xf32>
    %swap3A_553 = vector.shape_cast %swap3A_552 : vector<1x1x64x512xf32> to vector<64x512xf32>
    %swap3A_554 = vector.shape_cast %select_n3A_547 : vector<64x512xf32> to vector<1x1x64x512xf32>
    tpu.vector_store %arg6[%swap3A_548, %swap3A_549, %swap3A_550, %swap3A_551], %swap3A_554 {strides = array<i32>} : memref<27x3x64x512xf32, #tpu.memory_space<vmem>>, vector<1x1x64x512xf32>,
    %get3A_555 = arith.constant 9 : index
    %get3A_556 = arith.constant 0 : index
    %get3A_557 = vector.load %arg2[%get3A_555, %get3A_556] : memref<32x128xf32, #tpu.memory_space<vmem>>, vector<1x1xf32>
    %get3A_558 = vector.extract %get3A_557[0, 0] : f32 from vector<1x1xf32>
    %add3A_559 = vector.broadcast %get3A_558 : f32 to vector<64x512xf32>
    %add3A_560 = arith.addf %sub3A_11, %add3A_559 : vector<64x512xf32>
    %get3A_561 = arith.constant 9 : index
    %get3A_562 = arith.constant 1 : index
    %get3A_563 = vector.load %arg2[%get3A_561, %get3A_562] : memref<32x128xf32, #tpu.memory_space<vmem>>, vector<1x1xf32>
    %get3A_564 = vector.extract %get3A_563[0, 0] : f32 from vector<1x1xf32>
    %add3A_565 = vector.broadcast %get3A_564 : f32 to vector<64x512xf32>
    %add3A_566 = arith.addf %sub3A_14, %add3A_565 : vector<64x512xf32>
    %get3A_567 = arith.constant 9 : index
    %get3A_568 = arith.constant 2 : index
    %get3A_569 = vector.load %arg2[%get3A_567, %get3A_568] : memref<32x128xf32, #tpu.memory_space<vmem>>, vector<1x1xf32>
    %get3A_570 = vector.extract %get3A_569[0, 0] : f32 from vector<1x1xf32>
    %add3A_571 = vector.broadcast %get3A_570 : f32 to vector<64x512xf32>
    %add3A_572 = arith.addf %sub3A_17, %add3A_571 : vector<64x512xf32>
    %mul3A_573 = arith.mulf %add3A_560, %add3A_560 : vector<64x512xf32>
    %mul3A_574 = arith.mulf %add3A_566, %add3A_566 : vector<64x512xf32>
    %add3A_575 = arith.addf %mul3A_573, %mul3A_574 : vector<64x512xf32>
    %mul3A_576 = arith.mulf %add3A_572, %add3A_572 : vector<64x512xf32>
    %add3A_577 = arith.addf %add3A_575, %mul3A_576 : vector<64x512xf32>
    %sqrt3A_578 = math.sqrt %add3A_577 : vector<64x512xf32>
    %le3A_579 = arith.cmpf ole, %sqrt3A_578, %min3A_31 : vector<64x512xf32>
    %gt3A_580 = arith.constant 9.99999993E-9 : f32
    %gt3A_581 = vector.broadcast %gt3A_580 : f32 to vector<64x512xf32>
    %gt3A_582 = arith.cmpf ogt, %sqrt3A_578, %gt3A_581 : vector<64x512xf32>
    %and3A_583 = arith.andi %le3A_579, %gt3A_582 : vector<64x512xi1>
    %jit3A_584 = arith.constant 0.000000e+00 : f32
    %broadcast_in_dim3A_585 = vector.broadcast %jit3A_584 : f32 to vector<64x512xf32>
    %select_n3A_586 = arith.select %and3A_583, %add3A_560, %broadcast_in_dim3A_585 : vector<64x512xi1>, vector<64x512xf32>
    %swap3A_587 = arith.constant 9 : index
    %swap3A_588 = arith.constant 0 : index
    %swap3A_589 = arith.constant 0 : index
    %swap3A_590 = arith.constant 0 : index
    %swap3A_591 = vector.load %arg6[%swap3A_587, %swap3A_588, %swap3A_589, %swap3A_590] : memref<27x3x64x512xf32, #tpu.memory_space<vmem>>, vector<1x1x64x512xf32>
    %swap3A_592 = vector.shape_cast %swap3A_591 : vector<1x1x64x512xf32> to vector<64x512xf32>
    %swap3A_593 = vector.shape_cast %select_n3A_586 : vector<64x512xf32> to vector<1x1x64x512xf32>
    tpu.vector_store %arg6[%swap3A_587, %swap3A_588, %swap3A_589, %swap3A_590], %swap3A_593 {strides = array<i32>} : memref<27x3x64x512xf32, #tpu.memory_space<vmem>>, vector<1x1x64x512xf32>,
    %jit3A_594 = arith.constant 0.000000e+00 : f32
    %broadcast_in_dim3A_595 = vector.broadcast %jit3A_594 : f32 to vector<64x512xf32>
    %select_n3A_596 = arith.select %and3A_583, %add3A_566, %broadcast_in_dim3A_595 : vector<64x512xi1>, vector<64x512xf32>
    %swap3A_597 = arith.constant 9 : index
    %swap3A_598 = arith.constant 1 : index
    %swap3A_599 = arith.constant 0 : index
    %swap3A_600 = arith.constant 0 : index
    %swap3A_601 = vector.load %arg6[%swap3A_597, %swap3A_598, %swap3A_599, %swap3A_600] : memref<27x3x64x512xf32, #tpu.memory_space<vmem>>, vector<1x1x64x512xf32>
    %swap3A_602 = vector.shape_cast %swap3A_601 : vector<1x1x64x512xf32> to vector<64x512xf32>
    %swap3A_603 = vector.shape_cast %select_n3A_596 : vector<64x512xf32> to vector<1x1x64x512xf32>
    tpu.vector_store %arg6[%swap3A_597, %swap3A_598, %swap3A_599, %swap3A_600], %swap3A_603 {strides = array<i32>} : memref<27x3x64x512xf32, #tpu.memory_space<vmem>>, vector<1x1x64x512xf32>,
    %jit3A_604 = arith.constant 0.000000e+00 : f32
    %broadcast_in_dim3A_605 = vector.broadcast %jit3A_604 : f32 to vector<64x512xf32>
    %select_n3A_606 = arith.select %and3A_583, %add3A_572, %broadcast_in_dim3A_605 : vector<64x512xi1>, vector<64x512xf32>
    %swap3A_607 = arith.constant 9 : index
    %swap3A_608 = arith.constant 2 : index
    %swap3A_609 = arith.constant 0 : index
    %swap3A_610 = arith.constant 0 : index
    %swap3A_611 = vector.load %arg6[%swap3A_607, %swap3A_608, %swap3A_609, %swap3A_610] : memref<27x3x64x512xf32, #tpu.memory_space<vmem>>, vector<1x1x64x512xf32>
    %swap3A_612 = vector.shape_cast %swap3A_611 : vector<1x1x64x512xf32> to vector<64x512xf32>
    %swap3A_613 = vector.shape_cast %select_n3A_606 : vector<64x512xf32> to vector<1x1x64x512xf32>
    tpu.vector_store %arg6[%swap3A_607, %swap3A_608, %swap3A_609, %swap3A_610], %swap3A_613 {strides = array<i32>} : memref<27x3x64x512xf32, #tpu.memory_space<vmem>>, vector<1x1x64x512xf32>,
    %get3A_614 = arith.constant 10 : index
    %get3A_615 = arith.constant 0 : index
    %get3A_616 = vector.load %arg2[%get3A_614, %get3A_615] : memref<32x128xf32, #tpu.memory_space<vmem>>, vector<1x1xf32>
    %get3A_617 = vector.extract %get3A_616[0, 0] : f32 from vector<1x1xf32>
    %add3A_618 = vector.broadcast %get3A_617 : f32 to vector<64x512xf32>
    %add3A_619 = arith.addf %sub3A_11, %add3A_618 : vector<64x512xf32>
    %get3A_620 = arith.constant 10 : index
    %get3A_621 = arith.constant 1 : index
    %get3A_622 = vector.load %arg2[%get3A_620, %get3A_621] : memref<32x128xf32, #tpu.memory_space<vmem>>, vector<1x1xf32>
    %get3A_623 = vector.extract %get3A_622[0, 0] : f32 from vector<1x1xf32>
    %add3A_624 = vector.broadcast %get3A_623 : f32 to vector<64x512xf32>
    %add3A_625 = arith.addf %sub3A_14, %add3A_624 : vector<64x512xf32>
    %get3A_626 = arith.constant 10 : index
    %get3A_627 = arith.constant 2 : index
    %get3A_628 = vector.load %arg2[%get3A_626, %get3A_627] : memref<32x128xf32, #tpu.memory_space<vmem>>, vector<1x1xf32>
    %get3A_629 = vector.extract %get3A_628[0, 0] : f32 from vector<1x1xf32>
    %add3A_630 = vector.broadcast %get3A_629 : f32 to vector<64x512xf32>
    %add3A_631 = arith.addf %sub3A_17, %add3A_630 : vector<64x512xf32>
    %mul3A_632 = arith.mulf %add3A_619, %add3A_619 : vector<64x512xf32>
    %mul3A_633 = arith.mulf %add3A_625, %add3A_625 : vector<64x512xf32>
    %add3A_634 = arith.addf %mul3A_632, %mul3A_633 : vector<64x512xf32>
    %mul3A_635 = arith.mulf %add3A_631, %add3A_631 : vector<64x512xf32>
    %add3A_636 = arith.addf %add3A_634, %mul3A_635 : vector<64x512xf32>
    %sqrt3A_637 = math.sqrt %add3A_636 : vector<64x512xf32>
    %le3A_638 = arith.cmpf ole, %sqrt3A_637, %min3A_31 : vector<64x512xf32>
    %gt3A_639 = arith.constant 9.99999993E-9 : f32
    %gt3A_640 = vector.broadcast %gt3A_639 : f32 to vector<64x512xf32>
    %gt3A_641 = arith.cmpf ogt, %sqrt3A_637, %gt3A_640 : vector<64x512xf32>
    %and3A_642 = arith.andi %le3A_638, %gt3A_641 : vector<64x512xi1>
    %jit3A_643 = arith.constant 0.000000e+00 : f32
    %broadcast_in_dim3A_644 = vector.broadcast %jit3A_643 : f32 to vector<64x512xf32>
    %select_n3A_645 = arith.select %and3A_642, %add3A_619, %broadcast_in_dim3A_644 : vector<64x512xi1>, vector<64x512xf32>
    %swap3A_646 = arith.constant 10 : index
    %swap3A_647 = arith.constant 0 : index
    %swap3A_648 = arith.constant 0 : index
    %swap3A_649 = arith.constant 0 : index
    %swap3A_650 = vector.load %arg6[%swap3A_646, %swap3A_647, %swap3A_648, %swap3A_649] : memref<27x3x64x512xf32, #tpu.memory_space<vmem>>, vector<1x1x64x512xf32>
    %swap3A_651 = vector.shape_cast %swap3A_650 : vector<1x1x64x512xf32> to vector<64x512xf32>
    %swap3A_652 = vector.shape_cast %select_n3A_645 : vector<64x512xf32> to vector<1x1x64x512xf32>
    tpu.vector_store %arg6[%swap3A_646, %swap3A_647, %swap3A_648, %swap3A_649], %swap3A_652 {strides = array<i32>} : memref<27x3x64x512xf32, #tpu.memory_space<vmem>>, vector<1x1x64x512xf32>,
    %jit3A_653 = arith.constant 0.000000e+00 : f32
    %broadcast_in_dim3A_654 = vector.broadcast %jit3A_653 : f32 to vector<64x512xf32>
    %select_n3A_655 = arith.select %and3A_642, %add3A_625, %broadcast_in_dim3A_654 : vector<64x512xi1>, vector<64x512xf32>
    %swap3A_656 = arith.constant 10 : index
    %swap3A_657 = arith.constant 1 : index
    %swap3A_658 = arith.constant 0 : index
    %swap3A_659 = arith.constant 0 : index
    %swap3A_660 = vector.load %arg6[%swap3A_656, %swap3A_657, %swap3A_658, %swap3A_659] : memref<27x3x64x512xf32, #tpu.memory_space<vmem>>, vector<1x1x64x512xf32>
    %swap3A_661 = vector.shape_cast %swap3A_660 : vector<1x1x64x512xf32> to vector<64x512xf32>
    %swap3A_662 = vector.shape_cast %select_n3A_655 : vector<64x512xf32> to vector<1x1x64x512xf32>
    tpu.vector_store %arg6[%swap3A_656, %swap3A_657, %swap3A_658, %swap3A_659], %swap3A_662 {strides = array<i32>} : memref<27x3x64x512xf32, #tpu.memory_space<vmem>>, vector<1x1x64x512xf32>,
    %jit3A_663 = arith.constant 0.000000e+00 : f32
    %broadcast_in_dim3A_664 = vector.broadcast %jit3A_663 : f32 to vector<64x512xf32>
    %select_n3A_665 = arith.select %and3A_642, %add3A_631, %broadcast_in_dim3A_664 : vector<64x512xi1>, vector<64x512xf32>
    %swap3A_666 = arith.constant 10 : index
    %swap3A_667 = arith.constant 2 : index
    %swap3A_668 = arith.constant 0 : index
    %swap3A_669 = arith.constant 0 : index
    %swap3A_670 = vector.load %arg6[%swap3A_666, %swap3A_667, %swap3A_668, %swap3A_669] : memref<27x3x64x512xf32, #tpu.memory_space<vmem>>, vector<1x1x64x512xf32>
    %swap3A_671 = vector.shape_cast %swap3A_670 : vector<1x1x64x512xf32> to vector<64x512xf32>
    %swap3A_672 = vector.shape_cast %select_n3A_665 : vector<64x512xf32> to vector<1x1x64x512xf32>
    tpu.vector_store %arg6[%swap3A_666, %swap3A_667, %swap3A_668, %swap3A_669], %swap3A_672 {strides = array<i32>} : memref<27x3x64x512xf32, #tpu.memory_space<vmem>>, vector<1x1x64x512xf32>,
    %get3A_673 = arith.constant 11 : index
    %get3A_674 = arith.constant 0 : index
    %get3A_675 = vector.load %arg2[%get3A_673, %get3A_674] : memref<32x128xf32, #tpu.memory_space<vmem>>, vector<1x1xf32>
    %get3A_676 = vector.extract %get3A_675[0, 0] : f32 from vector<1x1xf32>
    %add3A_677 = vector.broadcast %get3A_676 : f32 to vector<64x512xf32>
    %add3A_678 = arith.addf %sub3A_11, %add3A_677 : vector<64x512xf32>
    %get3A_679 = arith.constant 11 : index
    %get3A_680 = arith.constant 1 : index
    %get3A_681 = vector.load %arg2[%get3A_679, %get3A_680] : memref<32x128xf32, #tpu.memory_space<vmem>>, vector<1x1xf32>
    %get3A_682 = vector.extract %get3A_681[0, 0] : f32 from vector<1x1xf32>
    %add3A_683 = vector.broadcast %get3A_682 : f32 to vector<64x512xf32>
    %add3A_684 = arith.addf %sub3A_14, %add3A_683 : vector<64x512xf32>
    %get3A_685 = arith.constant 11 : index
    %get3A_686 = arith.constant 2 : index
    %get3A_687 = vector.load %arg2[%get3A_685, %get3A_686] : memref<32x128xf32, #tpu.memory_space<vmem>>, vector<1x1xf32>
    %get3A_688 = vector.extract %get3A_687[0, 0] : f32 from vector<1x1xf32>
    %add3A_689 = vector.broadcast %get3A_688 : f32 to vector<64x512xf32>
    %add3A_690 = arith.addf %sub3A_17, %add3A_689 : vector<64x512xf32>
    %mul3A_691 = arith.mulf %add3A_678, %add3A_678 : vector<64x512xf32>
    %mul3A_692 = arith.mulf %add3A_684, %add3A_684 : vector<64x512xf32>
    %add3A_693 = arith.addf %mul3A_691, %mul3A_692 : vector<64x512xf32>
    %mul3A_694 = arith.mulf %add3A_690, %add3A_690 : vector<64x512xf32>
    %add3A_695 = arith.addf %add3A_693, %mul3A_694 : vector<64x512xf32>
    %sqrt3A_696 = math.sqrt %add3A_695 : vector<64x512xf32>
    %le3A_697 = arith.cmpf ole, %sqrt3A_696, %min3A_31 : vector<64x512xf32>
    %gt3A_698 = arith.constant 9.99999993E-9 : f32
    %gt3A_699 = vector.broadcast %gt3A_698 : f32 to vector<64x512xf32>
    %gt3A_700 = arith.cmpf ogt, %sqrt3A_696, %gt3A_699 : vector<64x512xf32>
    %and3A_701 = arith.andi %le3A_697, %gt3A_700 : vector<64x512xi1>
    %jit3A_702 = arith.constant 0.000000e+00 : f32
    %broadcast_in_dim3A_703 = vector.broadcast %jit3A_702 : f32 to vector<64x512xf32>
    %select_n3A_704 = arith.select %and3A_701, %add3A_678, %broadcast_in_dim3A_703 : vector<64x512xi1>, vector<64x512xf32>
    %swap3A_705 = arith.constant 11 : index
    %swap3A_706 = arith.constant 0 : index
    %swap3A_707 = arith.constant 0 : index
    %swap3A_708 = arith.constant 0 : index
    %swap3A_709 = vector.load %arg6[%swap3A_705, %swap3A_706, %swap3A_707, %swap3A_708] : memref<27x3x64x512xf32, #tpu.memory_space<vmem>>, vector<1x1x64x512xf32>
    %swap3A_710 = vector.shape_cast %swap3A_709 : vector<1x1x64x512xf32> to vector<64x512xf32>
    %swap3A_711 = vector.shape_cast %select_n3A_704 : vector<64x512xf32> to vector<1x1x64x512xf32>
    tpu.vector_store %arg6[%swap3A_705, %swap3A_706, %swap3A_707, %swap3A_708], %swap3A_711 {strides = array<i32>} : memref<27x3x64x512xf32, #tpu.memory_space<vmem>>, vector<1x1x64x512xf32>,
    %jit3A_712 = arith.constant 0.000000e+00 : f32
    %broadcast_in_dim3A_713 = vector.broadcast %jit3A_712 : f32 to vector<64x512xf32>
    %select_n3A_714 = arith.select %and3A_701, %add3A_684, %broadcast_in_dim3A_713 : vector<64x512xi1>, vector<64x512xf32>
    %swap3A_715 = arith.constant 11 : index
    %swap3A_716 = arith.constant 1 : index
    %swap3A_717 = arith.constant 0 : index
    %swap3A_718 = arith.constant 0 : index
    %swap3A_719 = vector.load %arg6[%swap3A_715, %swap3A_716, %swap3A_717, %swap3A_718] : memref<27x3x64x512xf32, #tpu.memory_space<vmem>>, vector<1x1x64x512xf32>
    %swap3A_720 = vector.shape_cast %swap3A_719 : vector<1x1x64x512xf32> to vector<64x512xf32>
    %swap3A_721 = vector.shape_cast %select_n3A_714 : vector<64x512xf32> to vector<1x1x64x512xf32>
    tpu.vector_store %arg6[%swap3A_715, %swap3A_716, %swap3A_717, %swap3A_718], %swap3A_721 {strides = array<i32>} : memref<27x3x64x512xf32, #tpu.memory_space<vmem>>, vector<1x1x64x512xf32>,
    %jit3A_722 = arith.constant 0.000000e+00 : f32
    %broadcast_in_dim3A_723 = vector.broadcast %jit3A_722 : f32 to vector<64x512xf32>
    %select_n3A_724 = arith.select %and3A_701, %add3A_690, %broadcast_in_dim3A_723 : vector<64x512xi1>, vector<64x512xf32>
    %swap3A_725 = arith.constant 11 : index
    %swap3A_726 = arith.constant 2 : index
    %swap3A_727 = arith.constant 0 : index
    %swap3A_728 = arith.constant 0 : index
    %swap3A_729 = vector.load %arg6[%swap3A_725, %swap3A_726, %swap3A_727, %swap3A_728] : memref<27x3x64x512xf32, #tpu.memory_space<vmem>>, vector<1x1x64x512xf32>
    %swap3A_730 = vector.shape_cast %swap3A_729 : vector<1x1x64x512xf32> to vector<64x512xf32>
    %swap3A_731 = vector.shape_cast %select_n3A_724 : vector<64x512xf32> to vector<1x1x64x512xf32>
    tpu.vector_store %arg6[%swap3A_725, %swap3A_726, %swap3A_727, %swap3A_728], %swap3A_731 {strides = array<i32>} : memref<27x3x64x512xf32, #tpu.memory_space<vmem>>, vector<1x1x64x512xf32>,
    %get3A_732 = arith.constant 12 : index
    %get3A_733 = arith.constant 0 : index
    %get3A_734 = vector.load %arg2[%get3A_732, %get3A_733] : memref<32x128xf32, #tpu.memory_space<vmem>>, vector<1x1xf32>
    %get3A_735 = vector.extract %get3A_734[0, 0] : f32 from vector<1x1xf32>
    %add3A_736 = vector.broadcast %get3A_735 : f32 to vector<64x512xf32>
    %add3A_737 = arith.addf %sub3A_11, %add3A_736 : vector<64x512xf32>
    %get3A_738 = arith.constant 12 : index
    %get3A_739 = arith.constant 1 : index
    %get3A_740 = vector.load %arg2[%get3A_738, %get3A_739] : memref<32x128xf32, #tpu.memory_space<vmem>>, vector<1x1xf32>
    %get3A_741 = vector.extract %get3A_740[0, 0] : f32 from vector<1x1xf32>
    %add3A_742 = vector.broadcast %get3A_741 : f32 to vector<64x512xf32>
    %add3A_743 = arith.addf %sub3A_14, %add3A_742 : vector<64x512xf32>
    %get3A_744 = arith.constant 12 : index
    %get3A_745 = arith.constant 2 : index
    %get3A_746 = vector.load %arg2[%get3A_744, %get3A_745] : memref<32x128xf32, #tpu.memory_space<vmem>>, vector<1x1xf32>
    %get3A_747 = vector.extract %get3A_746[0, 0] : f32 from vector<1x1xf32>
    %add3A_748 = vector.broadcast %get3A_747 : f32 to vector<64x512xf32>
    %add3A_749 = arith.addf %sub3A_17, %add3A_748 : vector<64x512xf32>
    %mul3A_750 = arith.mulf %add3A_737, %add3A_737 : vector<64x512xf32>
    %mul3A_751 = arith.mulf %add3A_743, %add3A_743 : vector<64x512xf32>
    %add3A_752 = arith.addf %mul3A_750, %mul3A_751 : vector<64x512xf32>
    %mul3A_753 = arith.mulf %add3A_749, %add3A_749 : vector<64x512xf32>
    %add3A_754 = arith.addf %add3A_752, %mul3A_753 : vector<64x512xf32>
    %sqrt3A_755 = math.sqrt %add3A_754 : vector<64x512xf32>
    %le3A_756 = arith.cmpf ole, %sqrt3A_755, %min3A_31 : vector<64x512xf32>
    %gt3A_757 = arith.constant 9.99999993E-9 : f32
    %gt3A_758 = vector.broadcast %gt3A_757 : f32 to vector<64x512xf32>
    %gt3A_759 = arith.cmpf ogt, %sqrt3A_755, %gt3A_758 : vector<64x512xf32>
    %and3A_760 = arith.andi %le3A_756, %gt3A_759 : vector<64x512xi1>
    %jit3A_761 = arith.constant 0.000000e+00 : f32
    %broadcast_in_dim3A_762 = vector.broadcast %jit3A_761 : f32 to vector<64x512xf32>
    %select_n3A_763 = arith.select %and3A_760, %add3A_737, %broadcast_in_dim3A_762 : vector<64x512xi1>, vector<64x512xf32>
    %swap3A_764 = arith.constant 12 : index
    %swap3A_765 = arith.constant 0 : index
    %swap3A_766 = arith.constant 0 : index
    %swap3A_767 = arith.constant 0 : index
    %swap3A_768 = vector.load %arg6[%swap3A_764, %swap3A_765, %swap3A_766, %swap3A_767] : memref<27x3x64x512xf32, #tpu.memory_space<vmem>>, vector<1x1x64x512xf32>
    %swap3A_769 = vector.shape_cast %swap3A_768 : vector<1x1x64x512xf32> to vector<64x512xf32>
    %swap3A_770 = vector.shape_cast %select_n3A_763 : vector<64x512xf32> to vector<1x1x64x512xf32>
    tpu.vector_store %arg6[%swap3A_764, %swap3A_765, %swap3A_766, %swap3A_767], %swap3A_770 {strides = array<i32>} : memref<27x3x64x512xf32, #tpu.memory_space<vmem>>, vector<1x1x64x512xf32>,
    %jit3A_771 = arith.constant 0.000000e+00 : f32
    %broadcast_in_dim3A_772 = vector.broadcast %jit3A_771 : f32 to vector<64x512xf32>
    %select_n3A_773 = arith.select %and3A_760, %add3A_743, %broadcast_in_dim3A_772 : vector<64x512xi1>, vector<64x512xf32>
    %swap3A_774 = arith.constant 12 : index
    %swap3A_775 = arith.constant 1 : index
    %swap3A_776 = arith.constant 0 : index
    %swap3A_777 = arith.constant 0 : index
    %swap3A_778 = vector.load %arg6[%swap3A_774, %swap3A_775, %swap3A_776, %swap3A_777] : memref<27x3x64x512xf32, #tpu.memory_space<vmem>>, vector<1x1x64x512xf32>
    %swap3A_779 = vector.shape_cast %swap3A_778 : vector<1x1x64x512xf32> to vector<64x512xf32>
    %swap3A_780 = vector.shape_cast %select_n3A_773 : vector<64x512xf32> to vector<1x1x64x512xf32>
    tpu.vector_store %arg6[%swap3A_774, %swap3A_775, %swap3A_776, %swap3A_777], %swap3A_780 {strides = array<i32>} : memref<27x3x64x512xf32, #tpu.memory_space<vmem>>, vector<1x1x64x512xf32>,
    %jit3A_781 = arith.constant 0.000000e+00 : f32
    %broadcast_in_dim3A_782 = vector.broadcast %jit3A_781 : f32 to vector<64x512xf32>
    %select_n3A_783 = arith.select %and3A_760, %add3A_749, %broadcast_in_dim3A_782 : vector<64x512xi1>, vector<64x512xf32>
    %swap3A_784 = arith.constant 12 : index
    %swap3A_785 = arith.constant 2 : index
    %swap3A_786 = arith.constant 0 : index
    %swap3A_787 = arith.constant 0 : index
    %swap3A_788 = vector.load %arg6[%swap3A_784, %swap3A_785, %swap3A_786, %swap3A_787] : memref<27x3x64x512xf32, #tpu.memory_space<vmem>>, vector<1x1x64x512xf32>
    %swap3A_789 = vector.shape_cast %swap3A_788 : vector<1x1x64x512xf32> to vector<64x512xf32>
    %swap3A_790 = vector.shape_cast %select_n3A_783 : vector<64x512xf32> to vector<1x1x64x512xf32>
    tpu.vector_store %arg6[%swap3A_784, %swap3A_785, %swap3A_786, %swap3A_787], %swap3A_790 {strides = array<i32>} : memref<27x3x64x512xf32, #tpu.memory_space<vmem>>, vector<1x1x64x512xf32>,
    %get3A_791 = arith.constant 13 : index
    %get3A_792 = arith.constant 0 : index
    %get3A_793 = vector.load %arg2[%get3A_791, %get3A_792] : memref<32x128xf32, #tpu.memory_space<vmem>>, vector<1x1xf32>
    %get3A_794 = vector.extract %get3A_793[0, 0] : f32 from vector<1x1xf32>
    %add3A_795 = vector.broadcast %get3A_794 : f32 to vector<64x512xf32>
    %add3A_796 = arith.addf %sub3A_11, %add3A_795 : vector<64x512xf32>
    %get3A_797 = arith.constant 13 : index
    %get3A_798 = arith.constant 1 : index
    %get3A_799 = vector.load %arg2[%get3A_797, %get3A_798] : memref<32x128xf32, #tpu.memory_space<vmem>>, vector<1x1xf32>
    %get3A_800 = vector.extract %get3A_799[0, 0] : f32 from vector<1x1xf32>
    %add3A_801 = vector.broadcast %get3A_800 : f32 to vector<64x512xf32>
    %add3A_802 = arith.addf %sub3A_14, %add3A_801 : vector<64x512xf32>
    %get3A_803 = arith.constant 13 : index
    %get3A_804 = arith.constant 2 : index
    %get3A_805 = vector.load %arg2[%get3A_803, %get3A_804] : memref<32x128xf32, #tpu.memory_space<vmem>>, vector<1x1xf32>
    %get3A_806 = vector.extract %get3A_805[0, 0] : f32 from vector<1x1xf32>
    %add3A_807 = vector.broadcast %get3A_806 : f32 to vector<64x512xf32>
    %add3A_808 = arith.addf %sub3A_17, %add3A_807 : vector<64x512xf32>
    %mul3A_809 = arith.mulf %add3A_796, %add3A_796 : vector<64x512xf32>
    %mul3A_810 = arith.mulf %add3A_802, %add3A_802 : vector<64x512xf32>
    %add3A_811 = arith.addf %mul3A_809, %mul3A_810 : vector<64x512xf32>
    %mul3A_812 = arith.mulf %add3A_808, %add3A_808 : vector<64x512xf32>
    %add3A_813 = arith.addf %add3A_811, %mul3A_812 : vector<64x512xf32>
    %sqrt3A_814 = math.sqrt %add3A_813 : vector<64x512xf32>
    %le3A_815 = arith.cmpf ole, %sqrt3A_814, %min3A_31 : vector<64x512xf32>
    %gt3A_816 = arith.constant 9.99999993E-9 : f32
    %gt3A_817 = vector.broadcast %gt3A_816 : f32 to vector<64x512xf32>
    %gt3A_818 = arith.cmpf ogt, %sqrt3A_814, %gt3A_817 : vector<64x512xf32>
    %and3A_819 = arith.andi %le3A_815, %gt3A_818 : vector<64x512xi1>
    %jit3A_820 = arith.constant 0.000000e+00 : f32
    %broadcast_in_dim3A_821 = vector.broadcast %jit3A_820 : f32 to vector<64x512xf32>
    %select_n3A_822 = arith.select %and3A_819, %add3A_796, %broadcast_in_dim3A_821 : vector<64x512xi1>, vector<64x512xf32>
    %swap3A_823 = arith.constant 13 : index
    %swap3A_824 = arith.constant 0 : index
    %swap3A_825 = arith.constant 0 : index
    %swap3A_826 = arith.constant 0 : index
    %swap3A_827 = vector.load %arg6[%swap3A_823, %swap3A_824, %swap3A_825, %swap3A_826] : memref<27x3x64x512xf32, #tpu.memory_space<vmem>>, vector<1x1x64x512xf32>
    %swap3A_828 = vector.shape_cast %swap3A_827 : vector<1x1x64x512xf32> to vector<64x512xf32>
    %swap3A_829 = vector.shape_cast %select_n3A_822 : vector<64x512xf32> to vector<1x1x64x512xf32>
    tpu.vector_store %arg6[%swap3A_823, %swap3A_824, %swap3A_825, %swap3A_826], %swap3A_829 {strides = array<i32>} : memref<27x3x64x512xf32, #tpu.memory_space<vmem>>, vector<1x1x64x512xf32>,
    %jit3A_830 = arith.constant 0.000000e+00 : f32
    %broadcast_in_dim3A_831 = vector.broadcast %jit3A_830 : f32 to vector<64x512xf32>
    %select_n3A_832 = arith.select %and3A_819, %add3A_802, %broadcast_in_dim3A_831 : vector<64x512xi1>, vector<64x512xf32>
    %swap3A_833 = arith.constant 13 : index
    %swap3A_834 = arith.constant 1 : index
    %swap3A_835 = arith.constant 0 : index
    %swap3A_836 = arith.constant 0 : index
    %swap3A_837 = vector.load %arg6[%swap3A_833, %swap3A_834, %swap3A_835, %swap3A_836] : memref<27x3x64x512xf32, #tpu.memory_space<vmem>>, vector<1x1x64x512xf32>
    %swap3A_838 = vector.shape_cast %swap3A_837 : vector<1x1x64x512xf32> to vector<64x512xf32>
    %swap3A_839 = vector.shape_cast %select_n3A_832 : vector<64x512xf32> to vector<1x1x64x512xf32>
    tpu.vector_store %arg6[%swap3A_833, %swap3A_834, %swap3A_835, %swap3A_836], %swap3A_839 {strides = array<i32>} : memref<27x3x64x512xf32, #tpu.memory_space<vmem>>, vector<1x1x64x512xf32>,
    %jit3A_840 = arith.constant 0.000000e+00 : f32
    %broadcast_in_dim3A_841 = vector.broadcast %jit3A_840 : f32 to vector<64x512xf32>
    %select_n3A_842 = arith.select %and3A_819, %add3A_808, %broadcast_in_dim3A_841 : vector<64x512xi1>, vector<64x512xf32>
    %swap3A_843 = arith.constant 13 : index
    %swap3A_844 = arith.constant 2 : index
    %swap3A_845 = arith.constant 0 : index
    %swap3A_846 = arith.constant 0 : index
    %swap3A_847 = vector.load %arg6[%swap3A_843, %swap3A_844, %swap3A_845, %swap3A_846] : memref<27x3x64x512xf32, #tpu.memory_space<vmem>>, vector<1x1x64x512xf32>
    %swap3A_848 = vector.shape_cast %swap3A_847 : vector<1x1x64x512xf32> to vector<64x512xf32>
    %swap3A_849 = vector.shape_cast %select_n3A_842 : vector<64x512xf32> to vector<1x1x64x512xf32>
    tpu.vector_store %arg6[%swap3A_843, %swap3A_844, %swap3A_845, %swap3A_846], %swap3A_849 {strides = array<i32>} : memref<27x3x64x512xf32, #tpu.memory_space<vmem>>, vector<1x1x64x512xf32>,
    %get3A_850 = arith.constant 14 : index
    %get3A_851 = arith.constant 0 : index
    %get3A_852 = vector.load %arg2[%get3A_850, %get3A_851] : memref<32x128xf32, #tpu.memory_space<vmem>>, vector<1x1xf32>
    %get3A_853 = vector.extract %get3A_852[0, 0] : f32 from vector<1x1xf32>
    %add3A_854 = vector.broadcast %get3A_853 : f32 to vector<64x512xf32>
    %add3A_855 = arith.addf %sub3A_11, %add3A_854 : vector<64x512xf32>
    %get3A_856 = arith.constant 14 : index
    %get3A_857 = arith.constant 1 : index
    %get3A_858 = vector.load %arg2[%get3A_856, %get3A_857] : memref<32x128xf32, #tpu.memory_space<vmem>>, vector<1x1xf32>
    %get3A_859 = vector.extract %get3A_858[0, 0] : f32 from vector<1x1xf32>
    %add3A_860 = vector.broadcast %get3A_859 : f32 to vector<64x512xf32>
    %add3A_861 = arith.addf %sub3A_14, %add3A_860 : vector<64x512xf32>
    %get3A_862 = arith.constant 14 : index
    %get3A_863 = arith.constant 2 : index
    %get3A_864 = vector.load %arg2[%get3A_862, %get3A_863] : memref<32x128xf32, #tpu.memory_space<vmem>>, vector<1x1xf32>
    %get3A_865 = vector.extract %get3A_864[0, 0] : f32 from vector<1x1xf32>
    %add3A_866 = vector.broadcast %get3A_865 : f32 to vector<64x512xf32>
    %add3A_867 = arith.addf %sub3A_17, %add3A_866 : vector<64x512xf32>
    %mul3A_868 = arith.mulf %add3A_855, %add3A_855 : vector<64x512xf32>
    %mul3A_869 = arith.mulf %add3A_861, %add3A_861 : vector<64x512xf32>
    %add3A_870 = arith.addf %mul3A_868, %mul3A_869 : vector<64x512xf32>
    %mul3A_871 = arith.mulf %add3A_867, %add3A_867 : vector<64x512xf32>
    %add3A_872 = arith.addf %add3A_870, %mul3A_871 : vector<64x512xf32>
    %sqrt3A_873 = math.sqrt %add3A_872 : vector<64x512xf32>
    %le3A_874 = arith.cmpf ole, %sqrt3A_873, %min3A_31 : vector<64x512xf32>
    %gt3A_875 = arith.constant 9.99999993E-9 : f32
    %gt3A_876 = vector.broadcast %gt3A_875 : f32 to vector<64x512xf32>
    %gt3A_877 = arith.cmpf ogt, %sqrt3A_873, %gt3A_876 : vector<64x512xf32>
    %and3A_878 = arith.andi %le3A_874, %gt3A_877 : vector<64x512xi1>
    %jit3A_879 = arith.constant 0.000000e+00 : f32
    %broadcast_in_dim3A_880 = vector.broadcast %jit3A_879 : f32 to vector<64x512xf32>
    %select_n3A_881 = arith.select %and3A_878, %add3A_855, %broadcast_in_dim3A_880 : vector<64x512xi1>, vector<64x512xf32>
    %swap3A_882 = arith.constant 14 : index
    %swap3A_883 = arith.constant 0 : index
    %swap3A_884 = arith.constant 0 : index
    %swap3A_885 = arith.constant 0 : index
    %swap3A_886 = vector.load %arg6[%swap3A_882, %swap3A_883, %swap3A_884, %swap3A_885] : memref<27x3x64x512xf32, #tpu.memory_space<vmem>>, vector<1x1x64x512xf32>
    %swap3A_887 = vector.shape_cast %swap3A_886 : vector<1x1x64x512xf32> to vector<64x512xf32>
    %swap3A_888 = vector.shape_cast %select_n3A_881 : vector<64x512xf32> to vector<1x1x64x512xf32>
    tpu.vector_store %arg6[%swap3A_882, %swap3A_883, %swap3A_884, %swap3A_885], %swap3A_888 {strides = array<i32>} : memref<27x3x64x512xf32, #tpu.memory_space<vmem>>, vector<1x1x64x512xf32>,
    %jit3A_889 = arith.constant 0.000000e+00 : f32
    %broadcast_in_dim3A_890 = vector.broadcast %jit3A_889 : f32 to vector<64x512xf32>
    %select_n3A_891 = arith.select %and3A_878, %add3A_861, %broadcast_in_dim3A_890 : vector<64x512xi1>, vector<64x512xf32>
    %swap3A_892 = arith.constant 14 : index
    %swap3A_893 = arith.constant 1 : index
    %swap3A_894 = arith.constant 0 : index
    %swap3A_895 = arith.constant 0 : index
    %swap3A_896 = vector.load %arg6[%swap3A_892, %swap3A_893, %swap3A_894, %swap3A_895] : memref<27x3x64x512xf32, #tpu.memory_space<vmem>>, vector<1x1x64x512xf32>
    %swap3A_897 = vector.shape_cast %swap3A_896 : vector<1x1x64x512xf32> to vector<64x512xf32>
    %swap3A_898 = vector.shape_cast %select_n3A_891 : vector<64x512xf32> to vector<1x1x64x512xf32>
    tpu.vector_store %arg6[%swap3A_892, %swap3A_893, %swap3A_894, %swap3A_895], %swap3A_898 {strides = array<i32>} : memref<27x3x64x512xf32, #tpu.memory_space<vmem>>, vector<1x1x64x512xf32>,
    %jit3A_899 = arith.constant 0.000000e+00 : f32
    %broadcast_in_dim3A_900 = vector.broadcast %jit3A_899 : f32 to vector<64x512xf32>
    %select_n3A_901 = arith.select %and3A_878, %add3A_867, %broadcast_in_dim3A_900 : vector<64x512xi1>, vector<64x512xf32>
    %swap3A_902 = arith.constant 14 : index
    %swap3A_903 = arith.constant 2 : index
    %swap3A_904 = arith.constant 0 : index
    %swap3A_905 = arith.constant 0 : index
    %swap3A_906 = vector.load %arg6[%swap3A_902, %swap3A_903, %swap3A_904, %swap3A_905] : memref<27x3x64x512xf32, #tpu.memory_space<vmem>>, vector<1x1x64x512xf32>
    %swap3A_907 = vector.shape_cast %swap3A_906 : vector<1x1x64x512xf32> to vector<64x512xf32>
    %swap3A_908 = vector.shape_cast %select_n3A_901 : vector<64x512xf32> to vector<1x1x64x512xf32>
    tpu.vector_store %arg6[%swap3A_902, %swap3A_903, %swap3A_904, %swap3A_905], %swap3A_908 {strides = array<i32>} : memref<27x3x64x512xf32, #tpu.memory_space<vmem>>, vector<1x1x64x512xf32>,
    %get3A_909 = arith.constant 15 : index
    %get3A_910 = arith.constant 0 : index
    %get3A_911 = vector.load %arg2[%get3A_909, %get3A_910] : memref<32x128xf32, #tpu.memory_space<vmem>>, vector<1x1xf32>
    %get3A_912 = vector.extract %get3A_911[0, 0] : f32 from vector<1x1xf32>
    %add3A_913 = vector.broadcast %get3A_912 : f32 to vector<64x512xf32>
    %add3A_914 = arith.addf %sub3A_11, %add3A_913 : vector<64x512xf32>
    %get3A_915 = arith.constant 15 : index
    %get3A_916 = arith.constant 1 : index
    %get3A_917 = vector.load %arg2[%get3A_915, %get3A_916] : memref<32x128xf32, #tpu.memory_space<vmem>>, vector<1x1xf32>
    %get3A_918 = vector.extract %get3A_917[0, 0] : f32 from vector<1x1xf32>
    %add3A_919 = vector.broadcast %get3A_918 : f32 to vector<64x512xf32>
    %add3A_920 = arith.addf %sub3A_14, %add3A_919 : vector<64x512xf32>
    %get3A_921 = arith.constant 15 : index
    %get3A_922 = arith.constant 2 : index
    %get3A_923 = vector.load %arg2[%get3A_921, %get3A_922] : memref<32x128xf32, #tpu.memory_space<vmem>>, vector<1x1xf32>
    %get3A_924 = vector.extract %get3A_923[0, 0] : f32 from vector<1x1xf32>
    %add3A_925 = vector.broadcast %get3A_924 : f32 to vector<64x512xf32>
    %add3A_926 = arith.addf %sub3A_17, %add3A_925 : vector<64x512xf32>
    %mul3A_927 = arith.mulf %add3A_914, %add3A_914 : vector<64x512xf32>
    %mul3A_928 = arith.mulf %add3A_920, %add3A_920 : vector<64x512xf32>
    %add3A_929 = arith.addf %mul3A_927, %mul3A_928 : vector<64x512xf32>
    %mul3A_930 = arith.mulf %add3A_926, %add3A_926 : vector<64x512xf32>
    %add3A_931 = arith.addf %add3A_929, %mul3A_930 : vector<64x512xf32>
    %sqrt3A_932 = math.sqrt %add3A_931 : vector<64x512xf32>
    %le3A_933 = arith.cmpf ole, %sqrt3A_932, %min3A_31 : vector<64x512xf32>
    %gt3A_934 = arith.constant 9.99999993E-9 : f32
    %gt3A_935 = vector.broadcast %gt3A_934 : f32 to vector<64x512xf32>
    %gt3A_936 = arith.cmpf ogt, %sqrt3A_932, %gt3A_935 : vector<64x512xf32>
    %and3A_937 = arith.andi %le3A_933, %gt3A_936 : vector<64x512xi1>
    %jit3A_938 = arith.constant 0.000000e+00 : f32
    %broadcast_in_dim3A_939 = vector.broadcast %jit3A_938 : f32 to vector<64x512xf32>
    %select_n3A_940 = arith.select %and3A_937, %add3A_914, %broadcast_in_dim3A_939 : vector<64x512xi1>, vector<64x512xf32>
    %swap3A_941 = arith.constant 15 : index
    %swap3A_942 = arith.constant 0 : index
    %swap3A_943 = arith.constant 0 : index
    %swap3A_944 = arith.constant 0 : index
    %swap3A_945 = vector.load %arg6[%swap3A_941, %swap3A_942, %swap3A_943, %swap3A_944] : memref<27x3x64x512xf32, #tpu.memory_space<vmem>>, vector<1x1x64x512xf32>
    %swap3A_946 = vector.shape_cast %swap3A_945 : vector<1x1x64x512xf32> to vector<64x512xf32>
    %swap3A_947 = vector.shape_cast %select_n3A_940 : vector<64x512xf32> to vector<1x1x64x512xf32>
    tpu.vector_store %arg6[%swap3A_941, %swap3A_942, %swap3A_943, %swap3A_944], %swap3A_947 {strides = array<i32>} : memref<27x3x64x512xf32, #tpu.memory_space<vmem>>, vector<1x1x64x512xf32>,
    %jit3A_948 = arith.constant 0.000000e+00 : f32
    %broadcast_in_dim3A_949 = vector.broadcast %jit3A_948 : f32 to vector<64x512xf32>
    %select_n3A_950 = arith.select %and3A_937, %add3A_920, %broadcast_in_dim3A_949 : vector<64x512xi1>, vector<64x512xf32>
    %swap3A_951 = arith.constant 15 : index
    %swap3A_952 = arith.constant 1 : index
    %swap3A_953 = arith.constant 0 : index
    %swap3A_954 = arith.constant 0 : index
    %swap3A_955 = vector.load %arg6[%swap3A_951, %swap3A_952, %swap3A_953, %swap3A_954] : memref<27x3x64x512xf32, #tpu.memory_space<vmem>>, vector<1x1x64x512xf32>
    %swap3A_956 = vector.shape_cast %swap3A_955 : vector<1x1x64x512xf32> to vector<64x512xf32>
    %swap3A_957 = vector.shape_cast %select_n3A_950 : vector<64x512xf32> to vector<1x1x64x512xf32>
    tpu.vector_store %arg6[%swap3A_951, %swap3A_952, %swap3A_953, %swap3A_954], %swap3A_957 {strides = array<i32>} : memref<27x3x64x512xf32, #tpu.memory_space<vmem>>, vector<1x1x64x512xf32>,
    %jit3A_958 = arith.constant 0.000000e+00 : f32
    %broadcast_in_dim3A_959 = vector.broadcast %jit3A_958 : f32 to vector<64x512xf32>
    %select_n3A_960 = arith.select %and3A_937, %add3A_926, %broadcast_in_dim3A_959 : vector<64x512xi1>, vector<64x512xf32>
    %swap3A_961 = arith.constant 15 : index
    %swap3A_962 = arith.constant 2 : index
    %swap3A_963 = arith.constant 0 : index
    %swap3A_964 = arith.constant 0 : index
    %swap3A_965 = vector.load %arg6[%swap3A_961, %swap3A_962, %swap3A_963, %swap3A_964] : memref<27x3x64x512xf32, #tpu.memory_space<vmem>>, vector<1x1x64x512xf32>
    %swap3A_966 = vector.shape_cast %swap3A_965 : vector<1x1x64x512xf32> to vector<64x512xf32>
    %swap3A_967 = vector.shape_cast %select_n3A_960 : vector<64x512xf32> to vector<1x1x64x512xf32>
    tpu.vector_store %arg6[%swap3A_961, %swap3A_962, %swap3A_963, %swap3A_964], %swap3A_967 {strides = array<i32>} : memref<27x3x64x512xf32, #tpu.memory_space<vmem>>, vector<1x1x64x512xf32>,
    %get3A_968 = arith.constant 16 : index
    %get3A_969 = arith.constant 0 : index
    %get3A_970 = vector.load %arg2[%get3A_968, %get3A_969] : memref<32x128xf32, #tpu.memory_space<vmem>>, vector<1x1xf32>
    %get3A_971 = vector.extract %get3A_970[0, 0] : f32 from vector<1x1xf32>
    %add3A_972 = vector.broadcast %get3A_971 : f32 to vector<64x512xf32>
    %add3A_973 = arith.addf %sub3A_11, %add3A_972 : vector<64x512xf32>
    %get3A_974 = arith.constant 16 : index
    %get3A_975 = arith.constant 1 : index
    %get3A_976 = vector.load %arg2[%get3A_974, %get3A_975] : memref<32x128xf32, #tpu.memory_space<vmem>>, vector<1x1xf32>
    %get3A_977 = vector.extract %get3A_976[0, 0] : f32 from vector<1x1xf32>
    %add3A_978 = vector.broadcast %get3A_977 : f32 to vector<64x512xf32>
    %add3A_979 = arith.addf %sub3A_14, %add3A_978 : vector<64x512xf32>
    %get3A_980 = arith.constant 16 : index
    %get3A_981 = arith.constant 2 : index
    %get3A_982 = vector.load %arg2[%get3A_980, %get3A_981] : memref<32x128xf32, #tpu.memory_space<vmem>>, vector<1x1xf32>
    %get3A_983 = vector.extract %get3A_982[0, 0] : f32 from vector<1x1xf32>
    %add3A_984 = vector.broadcast %get3A_983 : f32 to vector<64x512xf32>
    %add3A_985 = arith.addf %sub3A_17, %add3A_984 : vector<64x512xf32>
    %mul3A_986 = arith.mulf %add3A_973, %add3A_973 : vector<64x512xf32>
    %mul3A_987 = arith.mulf %add3A_979, %add3A_979 : vector<64x512xf32>
    %add3A_988 = arith.addf %mul3A_986, %mul3A_987 : vector<64x512xf32>
    %mul3A_989 = arith.mulf %add3A_985, %add3A_985 : vector<64x512xf32>
    %add3A_990 = arith.addf %add3A_988, %mul3A_989 : vector<64x512xf32>
    %sqrt3A_991 = math.sqrt %add3A_990 : vector<64x512xf32>
    %le3A_992 = arith.cmpf ole, %sqrt3A_991, %min3A_31 : vector<64x512xf32>
    %gt3A_993 = arith.constant 9.99999993E-9 : f32
    %gt3A_994 = vector.broadcast %gt3A_993 : f32 to vector<64x512xf32>
    %gt3A_995 = arith.cmpf ogt, %sqrt3A_991, %gt3A_994 : vector<64x512xf32>
    %and3A_996 = arith.andi %le3A_992, %gt3A_995 : vector<64x512xi1>
    %jit3A_997 = arith.constant 0.000000e+00 : f32
    %broadcast_in_dim3A_998 = vector.broadcast %jit3A_997 : f32 to vector<64x512xf32>
    %select_n3A_999 = arith.select %and3A_996, %add3A_973, %broadcast_in_dim3A_998 : vector<64x512xi1>, vector<64x512xf32>
    %swap3A_1000 = arith.constant 16 : index
    %swap3A_1001 = arith.constant 0 : index
    %swap3A_1002 = arith.constant 0 : index
    %swap3A_1003 = arith.constant 0 : index
    %swap3A_1004 = vector.load %arg6[%swap3A_1000, %swap3A_1001, %swap3A_1002, %swap3A_1003] : memref<27x3x64x512xf32, #tpu.memory_space<vmem>>, vector<1x1x64x512xf32>
    %swap3A_1005 = vector.shape_cast %swap3A_1004 : vector<1x1x64x512xf32> to vector<64x512xf32>
    %swap3A_1006 = vector.shape_cast %select_n3A_999 : vector<64x512xf32> to vector<1x1x64x512xf32>
    tpu.vector_store %arg6[%swap3A_1000, %swap3A_1001, %swap3A_1002, %swap3A_1003], %swap3A_1006 {strides = array<i32>} : memref<27x3x64x512xf32, #tpu.memory_space<vmem>>, vector<1x1x64x512xf32>,
    %jit3A_1007 = arith.constant 0.000000e+00 : f32
    %broadcast_in_dim3A_1008 = vector.broadcast %jit3A_1007 : f32 to vector<64x512xf32>
    %select_n3A_1009 = arith.select %and3A_996, %add3A_979, %broadcast_in_dim3A_1008 : vector<64x512xi1>, vector<64x512xf32>
    %swap3A_1010 = arith.constant 16 : index
    %swap3A_1011 = arith.constant 1 : index
    %swap3A_1012 = arith.constant 0 : index
    %swap3A_1013 = arith.constant 0 : index
    %swap3A_1014 = vector.load %arg6[%swap3A_1010, %swap3A_1011, %swap3A_1012, %swap3A_1013] : memref<27x3x64x512xf32, #tpu.memory_space<vmem>>, vector<1x1x64x512xf32>
    %swap3A_1015 = vector.shape_cast %swap3A_1014 : vector<1x1x64x512xf32> to vector<64x512xf32>
    %swap3A_1016 = vector.shape_cast %select_n3A_1009 : vector<64x512xf32> to vector<1x1x64x512xf32>
    tpu.vector_store %arg6[%swap3A_1010, %swap3A_1011, %swap3A_1012, %swap3A_1013], %swap3A_1016 {strides = array<i32>} : memref<27x3x64x512xf32, #tpu.memory_space<vmem>>, vector<1x1x64x512xf32>,
    %jit3A_1017 = arith.constant 0.000000e+00 : f32
    %broadcast_in_dim3A_1018 = vector.broadcast %jit3A_1017 : f32 to vector<64x512xf32>
    %select_n3A_1019 = arith.select %and3A_996, %add3A_985, %broadcast_in_dim3A_1018 : vector<64x512xi1>, vector<64x512xf32>
    %swap3A_1020 = arith.constant 16 : index
    %swap3A_1021 = arith.constant 2 : index
    %swap3A_1022 = arith.constant 0 : index
    %swap3A_1023 = arith.constant 0 : index
    %swap3A_1024 = vector.load %arg6[%swap3A_1020, %swap3A_1021, %swap3A_1022, %swap3A_1023] : memref<27x3x64x512xf32, #tpu.memory_space<vmem>>, vector<1x1x64x512xf32>
    %swap3A_1025 = vector.shape_cast %swap3A_1024 : vector<1x1x64x512xf32> to vector<64x512xf32>
    %swap3A_1026 = vector.shape_cast %select_n3A_1019 : vector<64x512xf32> to vector<1x1x64x512xf32>
    tpu.vector_store %arg6[%swap3A_1020, %swap3A_1021, %swap3A_1022, %swap3A_1023], %swap3A_1026 {strides = array<i32>} : memref<27x3x64x512xf32, #tpu.memory_space<vmem>>, vector<1x1x64x512xf32>,
    %get3A_1027 = arith.constant 17 : index
    %get3A_1028 = arith.constant 0 : index
    %get3A_1029 = vector.load %arg2[%get3A_1027, %get3A_1028] : memref<32x128xf32, #tpu.memory_space<vmem>>, vector<1x1xf32>
    %get3A_1030 = vector.extract %get3A_1029[0, 0] : f32 from vector<1x1xf32>
    %add3A_1031 = vector.broadcast %get3A_1030 : f32 to vector<64x512xf32>
    %add3A_1032 = arith.addf %sub3A_11, %add3A_1031 : vector<64x512xf32>
    %get3A_1033 = arith.constant 17 : index
    %get3A_1034 = arith.constant 1 : index
    %get3A_1035 = vector.load %arg2[%get3A_1033, %get3A_1034] : memref<32x128xf32, #tpu.memory_space<vmem>>, vector<1x1xf32>
    %get3A_1036 = vector.extract %get3A_1035[0, 0] : f32 from vector<1x1xf32>
    %add3A_1037 = vector.broadcast %get3A_1036 : f32 to vector<64x512xf32>
    %add3A_1038 = arith.addf %sub3A_14, %add3A_1037 : vector<64x512xf32>
    %get3A_1039 = arith.constant 17 : index
    %get3A_1040 = arith.constant 2 : index
    %get3A_1041 = vector.load %arg2[%get3A_1039, %get3A_1040] : memref<32x128xf32, #tpu.memory_space<vmem>>, vector<1x1xf32>
    %get3A_1042 = vector.extract %get3A_1041[0, 0] : f32 from vector<1x1xf32>
    %add3A_1043 = vector.broadcast %get3A_1042 : f32 to vector<64x512xf32>
    %add3A_1044 = arith.addf %sub3A_17, %add3A_1043 : vector<64x512xf32>
    %mul3A_1045 = arith.mulf %add3A_1032, %add3A_1032 : vector<64x512xf32>
    %mul3A_1046 = arith.mulf %add3A_1038, %add3A_1038 : vector<64x512xf32>
    %add3A_1047 = arith.addf %mul3A_1045, %mul3A_1046 : vector<64x512xf32>
    %mul3A_1048 = arith.mulf %add3A_1044, %add3A_1044 : vector<64x512xf32>
    %add3A_1049 = arith.addf %add3A_1047, %mul3A_1048 : vector<64x512xf32>
    %sqrt3A_1050 = math.sqrt %add3A_1049 : vector<64x512xf32>
    %le3A_1051 = arith.cmpf ole, %sqrt3A_1050, %min3A_31 : vector<64x512xf32>
    %gt3A_1052 = arith.constant 9.99999993E-9 : f32
    %gt3A_1053 = vector.broadcast %gt3A_1052 : f32 to vector<64x512xf32>
    %gt3A_1054 = arith.cmpf ogt, %sqrt3A_1050, %gt3A_1053 : vector<64x512xf32>
    %and3A_1055 = arith.andi %le3A_1051, %gt3A_1054 : vector<64x512xi1>
    %jit3A_1056 = arith.constant 0.000000e+00 : f32
    %broadcast_in_dim3A_1057 = vector.broadcast %jit3A_1056 : f32 to vector<64x512xf32>
    %select_n3A_1058 = arith.select %and3A_1055, %add3A_1032, %broadcast_in_dim3A_1057 : vector<64x512xi1>, vector<64x512xf32>
    %swap3A_1059 = arith.constant 17 : index
    %swap3A_1060 = arith.constant 0 : index
    %swap3A_1061 = arith.constant 0 : index
    %swap3A_1062 = arith.constant 0 : index
    %swap3A_1063 = vector.load %arg6[%swap3A_1059, %swap3A_1060, %swap3A_1061, %swap3A_1062] : memref<27x3x64x512xf32, #tpu.memory_space<vmem>>, vector<1x1x64x512xf32>
    %swap3A_1064 = vector.shape_cast %swap3A_1063 : vector<1x1x64x512xf32> to vector<64x512xf32>
    %swap3A_1065 = vector.shape_cast %select_n3A_1058 : vector<64x512xf32> to vector<1x1x64x512xf32>
    tpu.vector_store %arg6[%swap3A_1059, %swap3A_1060, %swap3A_1061, %swap3A_1062], %swap3A_1065 {strides = array<i32>} : memref<27x3x64x512xf32, #tpu.memory_space<vmem>>, vector<1x1x64x512xf32>,
    %jit3A_1066 = arith.constant 0.000000e+00 : f32
    %broadcast_in_dim3A_1067 = vector.broadcast %jit3A_1066 : f32 to vector<64x512xf32>
    %select_n3A_1068 = arith.select %and3A_1055, %add3A_1038, %broadcast_in_dim3A_1067 : vector<64x512xi1>, vector<64x512xf32>
    %swap3A_1069 = arith.constant 17 : index
    %swap3A_1070 = arith.constant 1 : index
    %swap3A_1071 = arith.constant 0 : index
    %swap3A_1072 = arith.constant 0 : index
    %swap3A_1073 = vector.load %arg6[%swap3A_1069, %swap3A_1070, %swap3A_1071, %swap3A_1072] : memref<27x3x64x512xf32, #tpu.memory_space<vmem>>, vector<1x1x64x512xf32>
    %swap3A_1074 = vector.shape_cast %swap3A_1073 : vector<1x1x64x512xf32> to vector<64x512xf32>
    %swap3A_1075 = vector.shape_cast %select_n3A_1068 : vector<64x512xf32> to vector<1x1x64x512xf32>
    tpu.vector_store %arg6[%swap3A_1069, %swap3A_1070, %swap3A_1071, %swap3A_1072], %swap3A_1075 {strides = array<i32>} : memref<27x3x64x512xf32, #tpu.memory_space<vmem>>, vector<1x1x64x512xf32>,
    %jit3A_1076 = arith.constant 0.000000e+00 : f32
    %broadcast_in_dim3A_1077 = vector.broadcast %jit3A_1076 : f32 to vector<64x512xf32>
    %select_n3A_1078 = arith.select %and3A_1055, %add3A_1044, %broadcast_in_dim3A_1077 : vector<64x512xi1>, vector<64x512xf32>
    %swap3A_1079 = arith.constant 17 : index
    %swap3A_1080 = arith.constant 2 : index
    %swap3A_1081 = arith.constant 0 : index
    %swap3A_1082 = arith.constant 0 : index
    %swap3A_1083 = vector.load %arg6[%swap3A_1079, %swap3A_1080, %swap3A_1081, %swap3A_1082] : memref<27x3x64x512xf32, #tpu.memory_space<vmem>>, vector<1x1x64x512xf32>
    %swap3A_1084 = vector.shape_cast %swap3A_1083 : vector<1x1x64x512xf32> to vector<64x512xf32>
    %swap3A_1085 = vector.shape_cast %select_n3A_1078 : vector<64x512xf32> to vector<1x1x64x512xf32>
    tpu.vector_store %arg6[%swap3A_1079, %swap3A_1080, %swap3A_1081, %swap3A_1082], %swap3A_1085 {strides = array<i32>} : memref<27x3x64x512xf32, #tpu.memory_space<vmem>>, vector<1x1x64x512xf32>,
    %get3A_1086 = arith.constant 18 : index
    %get3A_1087 = arith.constant 0 : index
    %get3A_1088 = vector.load %arg2[%get3A_1086, %get3A_1087] : memref<32x128xf32, #tpu.memory_space<vmem>>, vector<1x1xf32>
    %get3A_1089 = vector.extract %get3A_1088[0, 0] : f32 from vector<1x1xf32>
    %add3A_1090 = vector.broadcast %get3A_1089 : f32 to vector<64x512xf32>
    %add3A_1091 = arith.addf %sub3A_11, %add3A_1090 : vector<64x512xf32>
    %get3A_1092 = arith.constant 18 : index
    %get3A_1093 = arith.constant 1 : index
    %get3A_1094 = vector.load %arg2[%get3A_1092, %get3A_1093] : memref<32x128xf32, #tpu.memory_space<vmem>>, vector<1x1xf32>
    %get3A_1095 = vector.extract %get3A_1094[0, 0] : f32 from vector<1x1xf32>
    %add3A_1096 = vector.broadcast %get3A_1095 : f32 to vector<64x512xf32>
    %add3A_1097 = arith.addf %sub3A_14, %add3A_1096 : vector<64x512xf32>
    %get3A_1098 = arith.constant 18 : index
    %get3A_1099 = arith.constant 2 : index
    %get3A_1100 = vector.load %arg2[%get3A_1098, %get3A_1099] : memref<32x128xf32, #tpu.memory_space<vmem>>, vector<1x1xf32>
    %get3A_1101 = vector.extract %get3A_1100[0, 0] : f32 from vector<1x1xf32>
    %add3A_1102 = vector.broadcast %get3A_1101 : f32 to vector<64x512xf32>
    %add3A_1103 = arith.addf %sub3A_17, %add3A_1102 : vector<64x512xf32>
    %mul3A_1104 = arith.mulf %add3A_1091, %add3A_1091 : vector<64x512xf32>
    %mul3A_1105 = arith.mulf %add3A_1097, %add3A_1097 : vector<64x512xf32>
    %add3A_1106 = arith.addf %mul3A_1104, %mul3A_1105 : vector<64x512xf32>
    %mul3A_1107 = arith.mulf %add3A_1103, %add3A_1103 : vector<64x512xf32>
    %add3A_1108 = arith.addf %add3A_1106, %mul3A_1107 : vector<64x512xf32>
    %sqrt3A_1109 = math.sqrt %add3A_1108 : vector<64x512xf32>
    %le3A_1110 = arith.cmpf ole, %sqrt3A_1109, %min3A_31 : vector<64x512xf32>
    %gt3A_1111 = arith.constant 9.99999993E-9 : f32
    %gt3A_1112 = vector.broadcast %gt3A_1111 : f32 to vector<64x512xf32>
    %gt3A_1113 = arith.cmpf ogt, %sqrt3A_1109, %gt3A_1112 : vector<64x512xf32>
    %and3A_1114 = arith.andi %le3A_1110, %gt3A_1113 : vector<64x512xi1>
    %jit3A_1115 = arith.constant 0.000000e+00 : f32
    %broadcast_in_dim3A_1116 = vector.broadcast %jit3A_1115 : f32 to vector<64x512xf32>
    %select_n3A_1117 = arith.select %and3A_1114, %add3A_1091, %broadcast_in_dim3A_1116 : vector<64x512xi1>, vector<64x512xf32>
    %swap3A_1118 = arith.constant 18 : index
    %swap3A_1119 = arith.constant 0 : index
    %swap3A_1120 = arith.constant 0 : index
    %swap3A_1121 = arith.constant 0 : index
    %swap3A_1122 = vector.load %arg6[%swap3A_1118, %swap3A_1119, %swap3A_1120, %swap3A_1121] : memref<27x3x64x512xf32, #tpu.memory_space<vmem>>, vector<1x1x64x512xf32>
    %swap3A_1123 = vector.shape_cast %swap3A_1122 : vector<1x1x64x512xf32> to vector<64x512xf32>
    %swap3A_1124 = vector.shape_cast %select_n3A_1117 : vector<64x512xf32> to vector<1x1x64x512xf32>
    tpu.vector_store %arg6[%swap3A_1118, %swap3A_1119, %swap3A_1120, %swap3A_1121], %swap3A_1124 {strides = array<i32>} : memref<27x3x64x512xf32, #tpu.memory_space<vmem>>, vector<1x1x64x512xf32>,
    %jit3A_1125 = arith.constant 0.000000e+00 : f32
    %broadcast_in_dim3A_1126 = vector.broadcast %jit3A_1125 : f32 to vector<64x512xf32>
    %select_n3A_1127 = arith.select %and3A_1114, %add3A_1097, %broadcast_in_dim3A_1126 : vector<64x512xi1>, vector<64x512xf32>
    %swap3A_1128 = arith.constant 18 : index
    %swap3A_1129 = arith.constant 1 : index
    %swap3A_1130 = arith.constant 0 : index
    %swap3A_1131 = arith.constant 0 : index
    %swap3A_1132 = vector.load %arg6[%swap3A_1128, %swap3A_1129, %swap3A_1130, %swap3A_1131] : memref<27x3x64x512xf32, #tpu.memory_space<vmem>>, vector<1x1x64x512xf32>
    %swap3A_1133 = vector.shape_cast %swap3A_1132 : vector<1x1x64x512xf32> to vector<64x512xf32>
    %swap3A_1134 = vector.shape_cast %select_n3A_1127 : vector<64x512xf32> to vector<1x1x64x512xf32>
    tpu.vector_store %arg6[%swap3A_1128, %swap3A_1129, %swap3A_1130, %swap3A_1131], %swap3A_1134 {strides = array<i32>} : memref<27x3x64x512xf32, #tpu.memory_space<vmem>>, vector<1x1x64x512xf32>,
    %jit3A_1135 = arith.constant 0.000000e+00 : f32
    %broadcast_in_dim3A_1136 = vector.broadcast %jit3A_1135 : f32 to vector<64x512xf32>
    %select_n3A_1137 = arith.select %and3A_1114, %add3A_1103, %broadcast_in_dim3A_1136 : vector<64x512xi1>, vector<64x512xf32>
    %swap3A_1138 = arith.constant 18 : index
    %swap3A_1139 = arith.constant 2 : index
    %swap3A_1140 = arith.constant 0 : index
    %swap3A_1141 = arith.constant 0 : index
    %swap3A_1142 = vector.load %arg6[%swap3A_1138, %swap3A_1139, %swap3A_1140, %swap3A_1141] : memref<27x3x64x512xf32, #tpu.memory_space<vmem>>, vector<1x1x64x512xf32>
    %swap3A_1143 = vector.shape_cast %swap3A_1142 : vector<1x1x64x512xf32> to vector<64x512xf32>
    %swap3A_1144 = vector.shape_cast %select_n3A_1137 : vector<64x512xf32> to vector<1x1x64x512xf32>
    tpu.vector_store %arg6[%swap3A_1138, %swap3A_1139, %swap3A_1140, %swap3A_1141], %swap3A_1144 {strides = array<i32>} : memref<27x3x64x512xf32, #tpu.memory_space<vmem>>, vector<1x1x64x512xf32>,
    %get3A_1145 = arith.constant 19 : index
    %get3A_1146 = arith.constant 0 : index
    %get3A_1147 = vector.load %arg2[%get3A_1145, %get3A_1146] : memref<32x128xf32, #tpu.memory_space<vmem>>, vector<1x1xf32>
    %get3A_1148 = vector.extract %get3A_1147[0, 0] : f32 from vector<1x1xf32>
    %add3A_1149 = vector.broadcast %get3A_1148 : f32 to vector<64x512xf32>
    %add3A_1150 = arith.addf %sub3A_11, %add3A_1149 : vector<64x512xf32>
    %get3A_1151 = arith.constant 19 : index
    %get3A_1152 = arith.constant 1 : index
    %get3A_1153 = vector.load %arg2[%get3A_1151, %get3A_1152] : memref<32x128xf32, #tpu.memory_space<vmem>>, vector<1x1xf32>
    %get3A_1154 = vector.extract %get3A_1153[0, 0] : f32 from vector<1x1xf32>
    %add3A_1155 = vector.broadcast %get3A_1154 : f32 to vector<64x512xf32>
    %add3A_1156 = arith.addf %sub3A_14, %add3A_1155 : vector<64x512xf32>
    %get3A_1157 = arith.constant 19 : index
    %get3A_1158 = arith.constant 2 : index
    %get3A_1159 = vector.load %arg2[%get3A_1157, %get3A_1158] : memref<32x128xf32, #tpu.memory_space<vmem>>, vector<1x1xf32>
    %get3A_1160 = vector.extract %get3A_1159[0, 0] : f32 from vector<1x1xf32>
    %add3A_1161 = vector.broadcast %get3A_1160 : f32 to vector<64x512xf32>
    %add3A_1162 = arith.addf %sub3A_17, %add3A_1161 : vector<64x512xf32>
    %mul3A_1163 = arith.mulf %add3A_1150, %add3A_1150 : vector<64x512xf32>
    %mul3A_1164 = arith.mulf %add3A_1156, %add3A_1156 : vector<64x512xf32>
    %add3A_1165 = arith.addf %mul3A_1163, %mul3A_1164 : vector<64x512xf32>
    %mul3A_1166 = arith.mulf %add3A_1162, %add3A_1162 : vector<64x512xf32>
    %add3A_1167 = arith.addf %add3A_1165, %mul3A_1166 : vector<64x512xf32>
    %sqrt3A_1168 = math.sqrt %add3A_1167 : vector<64x512xf32>
    %le3A_1169 = arith.cmpf ole, %sqrt3A_1168, %min3A_31 : vector<64x512xf32>
    %gt3A_1170 = arith.constant 9.99999993E-9 : f32
    %gt3A_1171 = vector.broadcast %gt3A_1170 : f32 to vector<64x512xf32>
    %gt3A_1172 = arith.cmpf ogt, %sqrt3A_1168, %gt3A_1171 : vector<64x512xf32>
    %and3A_1173 = arith.andi %le3A_1169, %gt3A_1172 : vector<64x512xi1>
    %jit3A_1174 = arith.constant 0.000000e+00 : f32
    %broadcast_in_dim3A_1175 = vector.broadcast %jit3A_1174 : f32 to vector<64x512xf32>
    %select_n3A_1176 = arith.select %and3A_1173, %add3A_1150, %broadcast_in_dim3A_1175 : vector<64x512xi1>, vector<64x512xf32>
    %swap3A_1177 = arith.constant 19 : index
    %swap3A_1178 = arith.constant 0 : index
    %swap3A_1179 = arith.constant 0 : index
    %swap3A_1180 = arith.constant 0 : index
    %swap3A_1181 = vector.load %arg6[%swap3A_1177, %swap3A_1178, %swap3A_1179, %swap3A_1180] : memref<27x3x64x512xf32, #tpu.memory_space<vmem>>, vector<1x1x64x512xf32>
    %swap3A_1182 = vector.shape_cast %swap3A_1181 : vector<1x1x64x512xf32> to vector<64x512xf32>
    %swap3A_1183 = vector.shape_cast %select_n3A_1176 : vector<64x512xf32> to vector<1x1x64x512xf32>
    tpu.vector_store %arg6[%swap3A_1177, %swap3A_1178, %swap3A_1179, %swap3A_1180], %swap3A_1183 {strides = array<i32>} : memref<27x3x64x512xf32, #tpu.memory_space<vmem>>, vector<1x1x64x512xf32>,
    %jit3A_1184 = arith.constant 0.000000e+00 : f32
    %broadcast_in_dim3A_1185 = vector.broadcast %jit3A_1184 : f32 to vector<64x512xf32>
    %select_n3A_1186 = arith.select %and3A_1173, %add3A_1156, %broadcast_in_dim3A_1185 : vector<64x512xi1>, vector<64x512xf32>
    %swap3A_1187 = arith.constant 19 : index
    %swap3A_1188 = arith.constant 1 : index
    %swap3A_1189 = arith.constant 0 : index
    %swap3A_1190 = arith.constant 0 : index
    %swap3A_1191 = vector.load %arg6[%swap3A_1187, %swap3A_1188, %swap3A_1189, %swap3A_1190] : memref<27x3x64x512xf32, #tpu.memory_space<vmem>>, vector<1x1x64x512xf32>
    %swap3A_1192 = vector.shape_cast %swap3A_1191 : vector<1x1x64x512xf32> to vector<64x512xf32>
    %swap3A_1193 = vector.shape_cast %select_n3A_1186 : vector<64x512xf32> to vector<1x1x64x512xf32>
    tpu.vector_store %arg6[%swap3A_1187, %swap3A_1188, %swap3A_1189, %swap3A_1190], %swap3A_1193 {strides = array<i32>} : memref<27x3x64x512xf32, #tpu.memory_space<vmem>>, vector<1x1x64x512xf32>,
    %jit3A_1194 = arith.constant 0.000000e+00 : f32
    %broadcast_in_dim3A_1195 = vector.broadcast %jit3A_1194 : f32 to vector<64x512xf32>
    %select_n3A_1196 = arith.select %and3A_1173, %add3A_1162, %broadcast_in_dim3A_1195 : vector<64x512xi1>, vector<64x512xf32>
    %swap3A_1197 = arith.constant 19 : index
    %swap3A_1198 = arith.constant 2 : index
    %swap3A_1199 = arith.constant 0 : index
    %swap3A_1200 = arith.constant 0 : index
    %swap3A_1201 = vector.load %arg6[%swap3A_1197, %swap3A_1198, %swap3A_1199, %swap3A_1200] : memref<27x3x64x512xf32, #tpu.memory_space<vmem>>, vector<1x1x64x512xf32>
    %swap3A_1202 = vector.shape_cast %swap3A_1201 : vector<1x1x64x512xf32> to vector<64x512xf32>
    %swap3A_1203 = vector.shape_cast %select_n3A_1196 : vector<64x512xf32> to vector<1x1x64x512xf32>
    tpu.vector_store %arg6[%swap3A_1197, %swap3A_1198, %swap3A_1199, %swap3A_1200], %swap3A_1203 {strides = array<i32>} : memref<27x3x64x512xf32, #tpu.memory_space<vmem>>, vector<1x1x64x512xf32>,
    %get3A_1204 = arith.constant 20 : index
    %get3A_1205 = arith.constant 0 : index
    %get3A_1206 = vector.load %arg2[%get3A_1204, %get3A_1205] : memref<32x128xf32, #tpu.memory_space<vmem>>, vector<1x1xf32>
    %get3A_1207 = vector.extract %get3A_1206[0, 0] : f32 from vector<1x1xf32>
    %add3A_1208 = vector.broadcast %get3A_1207 : f32 to vector<64x512xf32>
    %add3A_1209 = arith.addf %sub3A_11, %add3A_1208 : vector<64x512xf32>
    %get3A_1210 = arith.constant 20 : index
    %get3A_1211 = arith.constant 1 : index
    %get3A_1212 = vector.load %arg2[%get3A_1210, %get3A_1211] : memref<32x128xf32, #tpu.memory_space<vmem>>, vector<1x1xf32>
    %get3A_1213 = vector.extract %get3A_1212[0, 0] : f32 from vector<1x1xf32>
    %add3A_1214 = vector.broadcast %get3A_1213 : f32 to vector<64x512xf32>
    %add3A_1215 = arith.addf %sub3A_14, %add3A_1214 : vector<64x512xf32>
    %get3A_1216 = arith.constant 20 : index
    %get3A_1217 = arith.constant 2 : index
    %get3A_1218 = vector.load %arg2[%get3A_1216, %get3A_1217] : memref<32x128xf32, #tpu.memory_space<vmem>>, vector<1x1xf32>
    %get3A_1219 = vector.extract %get3A_1218[0, 0] : f32 from vector<1x1xf32>
    %add3A_1220 = vector.broadcast %get3A_1219 : f32 to vector<64x512xf32>
    %add3A_1221 = arith.addf %sub3A_17, %add3A_1220 : vector<64x512xf32>
    %mul3A_1222 = arith.mulf %add3A_1209, %add3A_1209 : vector<64x512xf32>
    %mul3A_1223 = arith.mulf %add3A_1215, %add3A_1215 : vector<64x512xf32>
    %add3A_1224 = arith.addf %mul3A_1222, %mul3A_1223 : vector<64x512xf32>
    %mul3A_1225 = arith.mulf %add3A_1221, %add3A_1221 : vector<64x512xf32>
    %add3A_1226 = arith.addf %add3A_1224, %mul3A_1225 : vector<64x512xf32>
    %sqrt3A_1227 = math.sqrt %add3A_1226 : vector<64x512xf32>
    %le3A_1228 = arith.cmpf ole, %sqrt3A_1227, %min3A_31 : vector<64x512xf32>
    %gt3A_1229 = arith.constant 9.99999993E-9 : f32
    %gt3A_1230 = vector.broadcast %gt3A_1229 : f32 to vector<64x512xf32>
    %gt3A_1231 = arith.cmpf ogt, %sqrt3A_1227, %gt3A_1230 : vector<64x512xf32>
    %and3A_1232 = arith.andi %le3A_1228, %gt3A_1231 : vector<64x512xi1>
    %jit3A_1233 = arith.constant 0.000000e+00 : f32
    %broadcast_in_dim3A_1234 = vector.broadcast %jit3A_1233 : f32 to vector<64x512xf32>
    %select_n3A_1235 = arith.select %and3A_1232, %add3A_1209, %broadcast_in_dim3A_1234 : vector<64x512xi1>, vector<64x512xf32>
    %swap3A_1236 = arith.constant 20 : index
    %swap3A_1237 = arith.constant 0 : index
    %swap3A_1238 = arith.constant 0 : index
    %swap3A_1239 = arith.constant 0 : index
    %swap3A_1240 = vector.load %arg6[%swap3A_1236, %swap3A_1237, %swap3A_1238, %swap3A_1239] : memref<27x3x64x512xf32, #tpu.memory_space<vmem>>, vector<1x1x64x512xf32>
    %swap3A_1241 = vector.shape_cast %swap3A_1240 : vector<1x1x64x512xf32> to vector<64x512xf32>
    %swap3A_1242 = vector.shape_cast %select_n3A_1235 : vector<64x512xf32> to vector<1x1x64x512xf32>
    tpu.vector_store %arg6[%swap3A_1236, %swap3A_1237, %swap3A_1238, %swap3A_1239], %swap3A_1242 {strides = array<i32>} : memref<27x3x64x512xf32, #tpu.memory_space<vmem>>, vector<1x1x64x512xf32>,
    %jit3A_1243 = arith.constant 0.000000e+00 : f32
    %broadcast_in_dim3A_1244 = vector.broadcast %jit3A_1243 : f32 to vector<64x512xf32>
    %select_n3A_1245 = arith.select %and3A_1232, %add3A_1215, %broadcast_in_dim3A_1244 : vector<64x512xi1>, vector<64x512xf32>
    %swap3A_1246 = arith.constant 20 : index
    %swap3A_1247 = arith.constant 1 : index
    %swap3A_1248 = arith.constant 0 : index
    %swap3A_1249 = arith.constant 0 : index
    %swap3A_1250 = vector.load %arg6[%swap3A_1246, %swap3A_1247, %swap3A_1248, %swap3A_1249] : memref<27x3x64x512xf32, #tpu.memory_space<vmem>>, vector<1x1x64x512xf32>
    %swap3A_1251 = vector.shape_cast %swap3A_1250 : vector<1x1x64x512xf32> to vector<64x512xf32>
    %swap3A_1252 = vector.shape_cast %select_n3A_1245 : vector<64x512xf32> to vector<1x1x64x512xf32>
    tpu.vector_store %arg6[%swap3A_1246, %swap3A_1247, %swap3A_1248, %swap3A_1249], %swap3A_1252 {strides = array<i32>} : memref<27x3x64x512xf32, #tpu.memory_space<vmem>>, vector<1x1x64x512xf32>,
    %jit3A_1253 = arith.constant 0.000000e+00 : f32
    %broadcast_in_dim3A_1254 = vector.broadcast %jit3A_1253 : f32 to vector<64x512xf32>
    %select_n3A_1255 = arith.select %and3A_1232, %add3A_1221, %broadcast_in_dim3A_1254 : vector<64x512xi1>, vector<64x512xf32>
    %swap3A_1256 = arith.constant 20 : index
    %swap3A_1257 = arith.constant 2 : index
    %swap3A_1258 = arith.constant 0 : index
    %swap3A_1259 = arith.constant 0 : index
    %swap3A_1260 = vector.load %arg6[%swap3A_1256, %swap3A_1257, %swap3A_1258, %swap3A_1259] : memref<27x3x64x512xf32, #tpu.memory_space<vmem>>, vector<1x1x64x512xf32>
    %swap3A_1261 = vector.shape_cast %swap3A_1260 : vector<1x1x64x512xf32> to vector<64x512xf32>
    %swap3A_1262 = vector.shape_cast %select_n3A_1255 : vector<64x512xf32> to vector<1x1x64x512xf32>
    tpu.vector_store %arg6[%swap3A_1256, %swap3A_1257, %swap3A_1258, %swap3A_1259], %swap3A_1262 {strides = array<i32>} : memref<27x3x64x512xf32, #tpu.memory_space<vmem>>, vector<1x1x64x512xf32>,
    %get3A_1263 = arith.constant 21 : index
    %get3A_1264 = arith.constant 0 : index
    %get3A_1265 = vector.load %arg2[%get3A_1263, %get3A_1264] : memref<32x128xf32, #tpu.memory_space<vmem>>, vector<1x1xf32>
    %get3A_1266 = vector.extract %get3A_1265[0, 0] : f32 from vector<1x1xf32>
    %add3A_1267 = vector.broadcast %get3A_1266 : f32 to vector<64x512xf32>
    %add3A_1268 = arith.addf %sub3A_11, %add3A_1267 : vector<64x512xf32>
    %get3A_1269 = arith.constant 21 : index
    %get3A_1270 = arith.constant 1 : index
    %get3A_1271 = vector.load %arg2[%get3A_1269, %get3A_1270] : memref<32x128xf32, #tpu.memory_space<vmem>>, vector<1x1xf32>
    %get3A_1272 = vector.extract %get3A_1271[0, 0] : f32 from vector<1x1xf32>
    %add3A_1273 = vector.broadcast %get3A_1272 : f32 to vector<64x512xf32>
    %add3A_1274 = arith.addf %sub3A_14, %add3A_1273 : vector<64x512xf32>
    %get3A_1275 = arith.constant 21 : index
    %get3A_1276 = arith.constant 2 : index
    %get3A_1277 = vector.load %arg2[%get3A_1275, %get3A_1276] : memref<32x128xf32, #tpu.memory_space<vmem>>, vector<1x1xf32>
    %get3A_1278 = vector.extract %get3A_1277[0, 0] : f32 from vector<1x1xf32>
    %add3A_1279 = vector.broadcast %get3A_1278 : f32 to vector<64x512xf32>
    %add3A_1280 = arith.addf %sub3A_17, %add3A_1279 : vector<64x512xf32>
    %mul3A_1281 = arith.mulf %add3A_1268, %add3A_1268 : vector<64x512xf32>
    %mul3A_1282 = arith.mulf %add3A_1274, %add3A_1274 : vector<64x512xf32>
    %add3A_1283 = arith.addf %mul3A_1281, %mul3A_1282 : vector<64x512xf32>
    %mul3A_1284 = arith.mulf %add3A_1280, %add3A_1280 : vector<64x512xf32>
    %add3A_1285 = arith.addf %add3A_1283, %mul3A_1284 : vector<64x512xf32>
    %sqrt3A_1286 = math.sqrt %add3A_1285 : vector<64x512xf32>
    %le3A_1287 = arith.cmpf ole, %sqrt3A_1286, %min3A_31 : vector<64x512xf32>
    %gt3A_1288 = arith.constant 9.99999993E-9 : f32
    %gt3A_1289 = vector.broadcast %gt3A_1288 : f32 to vector<64x512xf32>
    %gt3A_1290 = arith.cmpf ogt, %sqrt3A_1286, %gt3A_1289 : vector<64x512xf32>
    %and3A_1291 = arith.andi %le3A_1287, %gt3A_1290 : vector<64x512xi1>
    %jit3A_1292 = arith.constant 0.000000e+00 : f32
    %broadcast_in_dim3A_1293 = vector.broadcast %jit3A_1292 : f32 to vector<64x512xf32>
    %select_n3A_1294 = arith.select %and3A_1291, %add3A_1268, %broadcast_in_dim3A_1293 : vector<64x512xi1>, vector<64x512xf32>
    %swap3A_1295 = arith.constant 21 : index
    %swap3A_1296 = arith.constant 0 : index
    %swap3A_1297 = arith.constant 0 : index
    %swap3A_1298 = arith.constant 0 : index
    %swap3A_1299 = vector.load %arg6[%swap3A_1295, %swap3A_1296, %swap3A_1297, %swap3A_1298] : memref<27x3x64x512xf32, #tpu.memory_space<vmem>>, vector<1x1x64x512xf32>
    %swap3A_1300 = vector.shape_cast %swap3A_1299 : vector<1x1x64x512xf32> to vector<64x512xf32>
    %swap3A_1301 = vector.shape_cast %select_n3A_1294 : vector<64x512xf32> to vector<1x1x64x512xf32>
    tpu.vector_store %arg6[%swap3A_1295, %swap3A_1296, %swap3A_1297, %swap3A_1298], %swap3A_1301 {strides = array<i32>} : memref<27x3x64x512xf32, #tpu.memory_space<vmem>>, vector<1x1x64x512xf32>,
    %jit3A_1302 = arith.constant 0.000000e+00 : f32
    %broadcast_in_dim3A_1303 = vector.broadcast %jit3A_1302 : f32 to vector<64x512xf32>
    %select_n3A_1304 = arith.select %and3A_1291, %add3A_1274, %broadcast_in_dim3A_1303 : vector<64x512xi1>, vector<64x512xf32>
    %swap3A_1305 = arith.constant 21 : index
    %swap3A_1306 = arith.constant 1 : index
    %swap3A_1307 = arith.constant 0 : index
    %swap3A_1308 = arith.constant 0 : index
    %swap3A_1309 = vector.load %arg6[%swap3A_1305, %swap3A_1306, %swap3A_1307, %swap3A_1308] : memref<27x3x64x512xf32, #tpu.memory_space<vmem>>, vector<1x1x64x512xf32>
    %swap3A_1310 = vector.shape_cast %swap3A_1309 : vector<1x1x64x512xf32> to vector<64x512xf32>
    %swap3A_1311 = vector.shape_cast %select_n3A_1304 : vector<64x512xf32> to vector<1x1x64x512xf32>
    tpu.vector_store %arg6[%swap3A_1305, %swap3A_1306, %swap3A_1307, %swap3A_1308], %swap3A_1311 {strides = array<i32>} : memref<27x3x64x512xf32, #tpu.memory_space<vmem>>, vector<1x1x64x512xf32>,
    %jit3A_1312 = arith.constant 0.000000e+00 : f32
    %broadcast_in_dim3A_1313 = vector.broadcast %jit3A_1312 : f32 to vector<64x512xf32>
    %select_n3A_1314 = arith.select %and3A_1291, %add3A_1280, %broadcast_in_dim3A_1313 : vector<64x512xi1>, vector<64x512xf32>
    %swap3A_1315 = arith.constant 21 : index
    %swap3A_1316 = arith.constant 2 : index
    %swap3A_1317 = arith.constant 0 : index
    %swap3A_1318 = arith.constant 0 : index
    %swap3A_1319 = vector.load %arg6[%swap3A_1315, %swap3A_1316, %swap3A_1317, %swap3A_1318] : memref<27x3x64x512xf32, #tpu.memory_space<vmem>>, vector<1x1x64x512xf32>
    %swap3A_1320 = vector.shape_cast %swap3A_1319 : vector<1x1x64x512xf32> to vector<64x512xf32>
    %swap3A_1321 = vector.shape_cast %select_n3A_1314 : vector<64x512xf32> to vector<1x1x64x512xf32>
    tpu.vector_store %arg6[%swap3A_1315, %swap3A_1316, %swap3A_1317, %swap3A_1318], %swap3A_1321 {strides = array<i32>} : memref<27x3x64x512xf32, #tpu.memory_space<vmem>>, vector<1x1x64x512xf32>,
    %get3A_1322 = arith.constant 22 : index
    %get3A_1323 = arith.constant 0 : index
    %get3A_1324 = vector.load %arg2[%get3A_1322, %get3A_1323] : memref<32x128xf32, #tpu.memory_space<vmem>>, vector<1x1xf32>
    %get3A_1325 = vector.extract %get3A_1324[0, 0] : f32 from vector<1x1xf32>
    %add3A_1326 = vector.broadcast %get3A_1325 : f32 to vector<64x512xf32>
    %add3A_1327 = arith.addf %sub3A_11, %add3A_1326 : vector<64x512xf32>
    %get3A_1328 = arith.constant 22 : index
    %get3A_1329 = arith.constant 1 : index
    %get3A_1330 = vector.load %arg2[%get3A_1328, %get3A_1329] : memref<32x128xf32, #tpu.memory_space<vmem>>, vector<1x1xf32>
    %get3A_1331 = vector.extract %get3A_1330[0, 0] : f32 from vector<1x1xf32>
    %add3A_1332 = vector.broadcast %get3A_1331 : f32 to vector<64x512xf32>
    %add3A_1333 = arith.addf %sub3A_14, %add3A_1332 : vector<64x512xf32>
    %get3A_1334 = arith.constant 22 : index
    %get3A_1335 = arith.constant 2 : index
    %get3A_1336 = vector.load %arg2[%get3A_1334, %get3A_1335] : memref<32x128xf32, #tpu.memory_space<vmem>>, vector<1x1xf32>
    %get3A_1337 = vector.extract %get3A_1336[0, 0] : f32 from vector<1x1xf32>
    %add3A_1338 = vector.broadcast %get3A_1337 : f32 to vector<64x512xf32>
    %add3A_1339 = arith.addf %sub3A_17, %add3A_1338 : vector<64x512xf32>
    %mul3A_1340 = arith.mulf %add3A_1327, %add3A_1327 : vector<64x512xf32>
    %mul3A_1341 = arith.mulf %add3A_1333, %add3A_1333 : vector<64x512xf32>
    %add3A_1342 = arith.addf %mul3A_1340, %mul3A_1341 : vector<64x512xf32>
    %mul3A_1343 = arith.mulf %add3A_1339, %add3A_1339 : vector<64x512xf32>
    %add3A_1344 = arith.addf %add3A_1342, %mul3A_1343 : vector<64x512xf32>
    %sqrt3A_1345 = math.sqrt %add3A_1344 : vector<64x512xf32>
    %le3A_1346 = arith.cmpf ole, %sqrt3A_1345, %min3A_31 : vector<64x512xf32>
    %gt3A_1347 = arith.constant 9.99999993E-9 : f32
    %gt3A_1348 = vector.broadcast %gt3A_1347 : f32 to vector<64x512xf32>
    %gt3A_1349 = arith.cmpf ogt, %sqrt3A_1345, %gt3A_1348 : vector<64x512xf32>
    %and3A_1350 = arith.andi %le3A_1346, %gt3A_1349 : vector<64x512xi1>
    %jit3A_1351 = arith.constant 0.000000e+00 : f32
    %broadcast_in_dim3A_1352 = vector.broadcast %jit3A_1351 : f32 to vector<64x512xf32>
    %select_n3A_1353 = arith.select %and3A_1350, %add3A_1327, %broadcast_in_dim3A_1352 : vector<64x512xi1>, vector<64x512xf32>
    %swap3A_1354 = arith.constant 22 : index
    %swap3A_1355 = arith.constant 0 : index
    %swap3A_1356 = arith.constant 0 : index
    %swap3A_1357 = arith.constant 0 : index
    %swap3A_1358 = vector.load %arg6[%swap3A_1354, %swap3A_1355, %swap3A_1356, %swap3A_1357] : memref<27x3x64x512xf32, #tpu.memory_space<vmem>>, vector<1x1x64x512xf32>
    %swap3A_1359 = vector.shape_cast %swap3A_1358 : vector<1x1x64x512xf32> to vector<64x512xf32>
    %swap3A_1360 = vector.shape_cast %select_n3A_1353 : vector<64x512xf32> to vector<1x1x64x512xf32>
    tpu.vector_store %arg6[%swap3A_1354, %swap3A_1355, %swap3A_1356, %swap3A_1357], %swap3A_1360 {strides = array<i32>} : memref<27x3x64x512xf32, #tpu.memory_space<vmem>>, vector<1x1x64x512xf32>,
    %jit3A_1361 = arith.constant 0.000000e+00 : f32
    %broadcast_in_dim3A_1362 = vector.broadcast %jit3A_1361 : f32 to vector<64x512xf32>
    %select_n3A_1363 = arith.select %and3A_1350, %add3A_1333, %broadcast_in_dim3A_1362 : vector<64x512xi1>, vector<64x512xf32>
    %swap3A_1364 = arith.constant 22 : index
    %swap3A_1365 = arith.constant 1 : index
    %swap3A_1366 = arith.constant 0 : index
    %swap3A_1367 = arith.constant 0 : index
    %swap3A_1368 = vector.load %arg6[%swap3A_1364, %swap3A_1365, %swap3A_1366, %swap3A_1367] : memref<27x3x64x512xf32, #tpu.memory_space<vmem>>, vector<1x1x64x512xf32>
    %swap3A_1369 = vector.shape_cast %swap3A_1368 : vector<1x1x64x512xf32> to vector<64x512xf32>
    %swap3A_1370 = vector.shape_cast %select_n3A_1363 : vector<64x512xf32> to vector<1x1x64x512xf32>
    tpu.vector_store %arg6[%swap3A_1364, %swap3A_1365, %swap3A_1366, %swap3A_1367], %swap3A_1370 {strides = array<i32>} : memref<27x3x64x512xf32, #tpu.memory_space<vmem>>, vector<1x1x64x512xf32>,
    %jit3A_1371 = arith.constant 0.000000e+00 : f32
    %broadcast_in_dim3A_1372 = vector.broadcast %jit3A_1371 : f32 to vector<64x512xf32>
    %select_n3A_1373 = arith.select %and3A_1350, %add3A_1339, %broadcast_in_dim3A_1372 : vector<64x512xi1>, vector<64x512xf32>
    %swap3A_1374 = arith.constant 22 : index
    %swap3A_1375 = arith.constant 2 : index
    %swap3A_1376 = arith.constant 0 : index
    %swap3A_1377 = arith.constant 0 : index
    %swap3A_1378 = vector.load %arg6[%swap3A_1374, %swap3A_1375, %swap3A_1376, %swap3A_1377] : memref<27x3x64x512xf32, #tpu.memory_space<vmem>>, vector<1x1x64x512xf32>
    %swap3A_1379 = vector.shape_cast %swap3A_1378 : vector<1x1x64x512xf32> to vector<64x512xf32>
    %swap3A_1380 = vector.shape_cast %select_n3A_1373 : vector<64x512xf32> to vector<1x1x64x512xf32>
    tpu.vector_store %arg6[%swap3A_1374, %swap3A_1375, %swap3A_1376, %swap3A_1377], %swap3A_1380 {strides = array<i32>} : memref<27x3x64x512xf32, #tpu.memory_space<vmem>>, vector<1x1x64x512xf32>,
    %get3A_1381 = arith.constant 23 : index
    %get3A_1382 = arith.constant 0 : index
    %get3A_1383 = vector.load %arg2[%get3A_1381, %get3A_1382] : memref<32x128xf32, #tpu.memory_space<vmem>>, vector<1x1xf32>
    %get3A_1384 = vector.extract %get3A_1383[0, 0] : f32 from vector<1x1xf32>
    %add3A_1385 = vector.broadcast %get3A_1384 : f32 to vector<64x512xf32>
    %add3A_1386 = arith.addf %sub3A_11, %add3A_1385 : vector<64x512xf32>
    %get3A_1387 = arith.constant 23 : index
    %get3A_1388 = arith.constant 1 : index
    %get3A_1389 = vector.load %arg2[%get3A_1387, %get3A_1388] : memref<32x128xf32, #tpu.memory_space<vmem>>, vector<1x1xf32>
    %get3A_1390 = vector.extract %get3A_1389[0, 0] : f32 from vector<1x1xf32>
    %add3A_1391 = vector.broadcast %get3A_1390 : f32 to vector<64x512xf32>
    %add3A_1392 = arith.addf %sub3A_14, %add3A_1391 : vector<64x512xf32>
    %get3A_1393 = arith.constant 23 : index
    %get3A_1394 = arith.constant 2 : index
    %get3A_1395 = vector.load %arg2[%get3A_1393, %get3A_1394] : memref<32x128xf32, #tpu.memory_space<vmem>>, vector<1x1xf32>
    %get3A_1396 = vector.extract %get3A_1395[0, 0] : f32 from vector<1x1xf32>
    %add3A_1397 = vector.broadcast %get3A_1396 : f32 to vector<64x512xf32>
    %add3A_1398 = arith.addf %sub3A_17, %add3A_1397 : vector<64x512xf32>
    %mul3A_1399 = arith.mulf %add3A_1386, %add3A_1386 : vector<64x512xf32>
    %mul3A_1400 = arith.mulf %add3A_1392, %add3A_1392 : vector<64x512xf32>
    %add3A_1401 = arith.addf %mul3A_1399, %mul3A_1400 : vector<64x512xf32>
    %mul3A_1402 = arith.mulf %add3A_1398, %add3A_1398 : vector<64x512xf32>
    %add3A_1403 = arith.addf %add3A_1401, %mul3A_1402 : vector<64x512xf32>
    %sqrt3A_1404 = math.sqrt %add3A_1403 : vector<64x512xf32>
    %le3A_1405 = arith.cmpf ole, %sqrt3A_1404, %min3A_31 : vector<64x512xf32>
    %gt3A_1406 = arith.constant 9.99999993E-9 : f32
    %gt3A_1407 = vector.broadcast %gt3A_1406 : f32 to vector<64x512xf32>
    %gt3A_1408 = arith.cmpf ogt, %sqrt3A_1404, %gt3A_1407 : vector<64x512xf32>
    %and3A_1409 = arith.andi %le3A_1405, %gt3A_1408 : vector<64x512xi1>
    %jit3A_1410 = arith.constant 0.000000e+00 : f32
    %broadcast_in_dim3A_1411 = vector.broadcast %jit3A_1410 : f32 to vector<64x512xf32>
    %select_n3A_1412 = arith.select %and3A_1409, %add3A_1386, %broadcast_in_dim3A_1411 : vector<64x512xi1>, vector<64x512xf32>
    %swap3A_1413 = arith.constant 23 : index
    %swap3A_1414 = arith.constant 0 : index
    %swap3A_1415 = arith.constant 0 : index
    %swap3A_1416 = arith.constant 0 : index
    %swap3A_1417 = vector.load %arg6[%swap3A_1413, %swap3A_1414, %swap3A_1415, %swap3A_1416] : memref<27x3x64x512xf32, #tpu.memory_space<vmem>>, vector<1x1x64x512xf32>
    %swap3A_1418 = vector.shape_cast %swap3A_1417 : vector<1x1x64x512xf32> to vector<64x512xf32>
    %swap3A_1419 = vector.shape_cast %select_n3A_1412 : vector<64x512xf32> to vector<1x1x64x512xf32>
    tpu.vector_store %arg6[%swap3A_1413, %swap3A_1414, %swap3A_1415, %swap3A_1416], %swap3A_1419 {strides = array<i32>} : memref<27x3x64x512xf32, #tpu.memory_space<vmem>>, vector<1x1x64x512xf32>,
    %jit3A_1420 = arith.constant 0.000000e+00 : f32
    %broadcast_in_dim3A_1421 = vector.broadcast %jit3A_1420 : f32 to vector<64x512xf32>
    %select_n3A_1422 = arith.select %and3A_1409, %add3A_1392, %broadcast_in_dim3A_1421 : vector<64x512xi1>, vector<64x512xf32>
    %swap3A_1423 = arith.constant 23 : index
    %swap3A_1424 = arith.constant 1 : index
    %swap3A_1425 = arith.constant 0 : index
    %swap3A_1426 = arith.constant 0 : index
    %swap3A_1427 = vector.load %arg6[%swap3A_1423, %swap3A_1424, %swap3A_1425, %swap3A_1426] : memref<27x3x64x512xf32, #tpu.memory_space<vmem>>, vector<1x1x64x512xf32>
    %swap3A_1428 = vector.shape_cast %swap3A_1427 : vector<1x1x64x512xf32> to vector<64x512xf32>
    %swap3A_1429 = vector.shape_cast %select_n3A_1422 : vector<64x512xf32> to vector<1x1x64x512xf32>
    tpu.vector_store %arg6[%swap3A_1423, %swap3A_1424, %swap3A_1425, %swap3A_1426], %swap3A_1429 {strides = array<i32>} : memref<27x3x64x512xf32, #tpu.memory_space<vmem>>, vector<1x1x64x512xf32>,
    %jit3A_1430 = arith.constant 0.000000e+00 : f32
    %broadcast_in_dim3A_1431 = vector.broadcast %jit3A_1430 : f32 to vector<64x512xf32>
    %select_n3A_1432 = arith.select %and3A_1409, %add3A_1398, %broadcast_in_dim3A_1431 : vector<64x512xi1>, vector<64x512xf32>
    %swap3A_1433 = arith.constant 23 : index
    %swap3A_1434 = arith.constant 2 : index
    %swap3A_1435 = arith.constant 0 : index
    %swap3A_1436 = arith.constant 0 : index
    %swap3A_1437 = vector.load %arg6[%swap3A_1433, %swap3A_1434, %swap3A_1435, %swap3A_1436] : memref<27x3x64x512xf32, #tpu.memory_space<vmem>>, vector<1x1x64x512xf32>
    %swap3A_1438 = vector.shape_cast %swap3A_1437 : vector<1x1x64x512xf32> to vector<64x512xf32>
    %swap3A_1439 = vector.shape_cast %select_n3A_1432 : vector<64x512xf32> to vector<1x1x64x512xf32>
    tpu.vector_store %arg6[%swap3A_1433, %swap3A_1434, %swap3A_1435, %swap3A_1436], %swap3A_1439 {strides = array<i32>} : memref<27x3x64x512xf32, #tpu.memory_space<vmem>>, vector<1x1x64x512xf32>,
    %get3A_1440 = arith.constant 24 : index
    %get3A_1441 = arith.constant 0 : index
    %get3A_1442 = vector.load %arg2[%get3A_1440, %get3A_1441] : memref<32x128xf32, #tpu.memory_space<vmem>>, vector<1x1xf32>
    %get3A_1443 = vector.extract %get3A_1442[0, 0] : f32 from vector<1x1xf32>
    %add3A_1444 = vector.broadcast %get3A_1443 : f32 to vector<64x512xf32>
    %add3A_1445 = arith.addf %sub3A_11, %add3A_1444 : vector<64x512xf32>
    %get3A_1446 = arith.constant 24 : index
    %get3A_1447 = arith.constant 1 : index
    %get3A_1448 = vector.load %arg2[%get3A_1446, %get3A_1447] : memref<32x128xf32, #tpu.memory_space<vmem>>, vector<1x1xf32>
    %get3A_1449 = vector.extract %get3A_1448[0, 0] : f32 from vector<1x1xf32>
    %add3A_1450 = vector.broadcast %get3A_1449 : f32 to vector<64x512xf32>
    %add3A_1451 = arith.addf %sub3A_14, %add3A_1450 : vector<64x512xf32>
    %get3A_1452 = arith.constant 24 : index
    %get3A_1453 = arith.constant 2 : index
    %get3A_1454 = vector.load %arg2[%get3A_1452, %get3A_1453] : memref<32x128xf32, #tpu.memory_space<vmem>>, vector<1x1xf32>
    %get3A_1455 = vector.extract %get3A_1454[0, 0] : f32 from vector<1x1xf32>
    %add3A_1456 = vector.broadcast %get3A_1455 : f32 to vector<64x512xf32>
    %add3A_1457 = arith.addf %sub3A_17, %add3A_1456 : vector<64x512xf32>
    %mul3A_1458 = arith.mulf %add3A_1445, %add3A_1445 : vector<64x512xf32>
    %mul3A_1459 = arith.mulf %add3A_1451, %add3A_1451 : vector<64x512xf32>
    %add3A_1460 = arith.addf %mul3A_1458, %mul3A_1459 : vector<64x512xf32>
    %mul3A_1461 = arith.mulf %add3A_1457, %add3A_1457 : vector<64x512xf32>
    %add3A_1462 = arith.addf %add3A_1460, %mul3A_1461 : vector<64x512xf32>
    %sqrt3A_1463 = math.sqrt %add3A_1462 : vector<64x512xf32>
    %le3A_1464 = arith.cmpf ole, %sqrt3A_1463, %min3A_31 : vector<64x512xf32>
    %gt3A_1465 = arith.constant 9.99999993E-9 : f32
    %gt3A_1466 = vector.broadcast %gt3A_1465 : f32 to vector<64x512xf32>
    %gt3A_1467 = arith.cmpf ogt, %sqrt3A_1463, %gt3A_1466 : vector<64x512xf32>
    %and3A_1468 = arith.andi %le3A_1464, %gt3A_1467 : vector<64x512xi1>
    %jit3A_1469 = arith.constant 0.000000e+00 : f32
    %broadcast_in_dim3A_1470 = vector.broadcast %jit3A_1469 : f32 to vector<64x512xf32>
    %select_n3A_1471 = arith.select %and3A_1468, %add3A_1445, %broadcast_in_dim3A_1470 : vector<64x512xi1>, vector<64x512xf32>
    %swap3A_1472 = arith.constant 24 : index
    %swap3A_1473 = arith.constant 0 : index
    %swap3A_1474 = arith.constant 0 : index
    %swap3A_1475 = arith.constant 0 : index
    %swap3A_1476 = vector.load %arg6[%swap3A_1472, %swap3A_1473, %swap3A_1474, %swap3A_1475] : memref<27x3x64x512xf32, #tpu.memory_space<vmem>>, vector<1x1x64x512xf32>
    %swap3A_1477 = vector.shape_cast %swap3A_1476 : vector<1x1x64x512xf32> to vector<64x512xf32>
    %swap3A_1478 = vector.shape_cast %select_n3A_1471 : vector<64x512xf32> to vector<1x1x64x512xf32>
    tpu.vector_store %arg6[%swap3A_1472, %swap3A_1473, %swap3A_1474, %swap3A_1475], %swap3A_1478 {strides = array<i32>} : memref<27x3x64x512xf32, #tpu.memory_space<vmem>>, vector<1x1x64x512xf32>,
    %jit3A_1479 = arith.constant 0.000000e+00 : f32
    %broadcast_in_dim3A_1480 = vector.broadcast %jit3A_1479 : f32 to vector<64x512xf32>
    %select_n3A_1481 = arith.select %and3A_1468, %add3A_1451, %broadcast_in_dim3A_1480 : vector<64x512xi1>, vector<64x512xf32>
    %swap3A_1482 = arith.constant 24 : index
    %swap3A_1483 = arith.constant 1 : index
    %swap3A_1484 = arith.constant 0 : index
    %swap3A_1485 = arith.constant 0 : index
    %swap3A_1486 = vector.load %arg6[%swap3A_1482, %swap3A_1483, %swap3A_1484, %swap3A_1485] : memref<27x3x64x512xf32, #tpu.memory_space<vmem>>, vector<1x1x64x512xf32>
    %swap3A_1487 = vector.shape_cast %swap3A_1486 : vector<1x1x64x512xf32> to vector<64x512xf32>
    %swap3A_1488 = vector.shape_cast %select_n3A_1481 : vector<64x512xf32> to vector<1x1x64x512xf32>
    tpu.vector_store %arg6[%swap3A_1482, %swap3A_1483, %swap3A_1484, %swap3A_1485], %swap3A_1488 {strides = array<i32>} : memref<27x3x64x512xf32, #tpu.memory_space<vmem>>, vector<1x1x64x512xf32>,
    %jit3A_1489 = arith.constant 0.000000e+00 : f32
    %broadcast_in_dim3A_1490 = vector.broadcast %jit3A_1489 : f32 to vector<64x512xf32>
    %select_n3A_1491 = arith.select %and3A_1468, %add3A_1457, %broadcast_in_dim3A_1490 : vector<64x512xi1>, vector<64x512xf32>
    %swap3A_1492 = arith.constant 24 : index
    %swap3A_1493 = arith.constant 2 : index
    %swap3A_1494 = arith.constant 0 : index
    %swap3A_1495 = arith.constant 0 : index
    %swap3A_1496 = vector.load %arg6[%swap3A_1492, %swap3A_1493, %swap3A_1494, %swap3A_1495] : memref<27x3x64x512xf32, #tpu.memory_space<vmem>>, vector<1x1x64x512xf32>
    %swap3A_1497 = vector.shape_cast %swap3A_1496 : vector<1x1x64x512xf32> to vector<64x512xf32>
    %swap3A_1498 = vector.shape_cast %select_n3A_1491 : vector<64x512xf32> to vector<1x1x64x512xf32>
    tpu.vector_store %arg6[%swap3A_1492, %swap3A_1493, %swap3A_1494, %swap3A_1495], %swap3A_1498 {strides = array<i32>} : memref<27x3x64x512xf32, #tpu.memory_space<vmem>>, vector<1x1x64x512xf32>,
    %get3A_1499 = arith.constant 25 : index
    %get3A_1500 = arith.constant 0 : index
    %get3A_1501 = vector.load %arg2[%get3A_1499, %get3A_1500] : memref<32x128xf32, #tpu.memory_space<vmem>>, vector<1x1xf32>
    %get3A_1502 = vector.extract %get3A_1501[0, 0] : f32 from vector<1x1xf32>
    %add3A_1503 = vector.broadcast %get3A_1502 : f32 to vector<64x512xf32>
    %add3A_1504 = arith.addf %sub3A_11, %add3A_1503 : vector<64x512xf32>
    %get3A_1505 = arith.constant 25 : index
    %get3A_1506 = arith.constant 1 : index
    %get3A_1507 = vector.load %arg2[%get3A_1505, %get3A_1506] : memref<32x128xf32, #tpu.memory_space<vmem>>, vector<1x1xf32>
    %get3A_1508 = vector.extract %get3A_1507[0, 0] : f32 from vector<1x1xf32>
    %add3A_1509 = vector.broadcast %get3A_1508 : f32 to vector<64x512xf32>
    %add3A_1510 = arith.addf %sub3A_14, %add3A_1509 : vector<64x512xf32>
    %get3A_1511 = arith.constant 25 : index
    %get3A_1512 = arith.constant 2 : index
    %get3A_1513 = vector.load %arg2[%get3A_1511, %get3A_1512] : memref<32x128xf32, #tpu.memory_space<vmem>>, vector<1x1xf32>
    %get3A_1514 = vector.extract %get3A_1513[0, 0] : f32 from vector<1x1xf32>
    %add3A_1515 = vector.broadcast %get3A_1514 : f32 to vector<64x512xf32>
    %add3A_1516 = arith.addf %sub3A_17, %add3A_1515 : vector<64x512xf32>
    %mul3A_1517 = arith.mulf %add3A_1504, %add3A_1504 : vector<64x512xf32>
    %mul3A_1518 = arith.mulf %add3A_1510, %add3A_1510 : vector<64x512xf32>
    %add3A_1519 = arith.addf %mul3A_1517, %mul3A_1518 : vector<64x512xf32>
    %mul3A_1520 = arith.mulf %add3A_1516, %add3A_1516 : vector<64x512xf32>
    %add3A_1521 = arith.addf %add3A_1519, %mul3A_1520 : vector<64x512xf32>
    %sqrt3A_1522 = math.sqrt %add3A_1521 : vector<64x512xf32>
    %le3A_1523 = arith.cmpf ole, %sqrt3A_1522, %min3A_31 : vector<64x512xf32>
    %gt3A_1524 = arith.constant 9.99999993E-9 : f32
    %gt3A_1525 = vector.broadcast %gt3A_1524 : f32 to vector<64x512xf32>
    %gt3A_1526 = arith.cmpf ogt, %sqrt3A_1522, %gt3A_1525 : vector<64x512xf32>
    %and3A_1527 = arith.andi %le3A_1523, %gt3A_1526 : vector<64x512xi1>
    %jit3A_1528 = arith.constant 0.000000e+00 : f32
    %broadcast_in_dim3A_1529 = vector.broadcast %jit3A_1528 : f32 to vector<64x512xf32>
    %select_n3A_1530 = arith.select %and3A_1527, %add3A_1504, %broadcast_in_dim3A_1529 : vector<64x512xi1>, vector<64x512xf32>
    %swap3A_1531 = arith.constant 25 : index
    %swap3A_1532 = arith.constant 0 : index
    %swap3A_1533 = arith.constant 0 : index
    %swap3A_1534 = arith.constant 0 : index
    %swap3A_1535 = vector.load %arg6[%swap3A_1531, %swap3A_1532, %swap3A_1533, %swap3A_1534] : memref<27x3x64x512xf32, #tpu.memory_space<vmem>>, vector<1x1x64x512xf32>
    %swap3A_1536 = vector.shape_cast %swap3A_1535 : vector<1x1x64x512xf32> to vector<64x512xf32>
    %swap3A_1537 = vector.shape_cast %select_n3A_1530 : vector<64x512xf32> to vector<1x1x64x512xf32>
    tpu.vector_store %arg6[%swap3A_1531, %swap3A_1532, %swap3A_1533, %swap3A_1534], %swap3A_1537 {strides = array<i32>} : memref<27x3x64x512xf32, #tpu.memory_space<vmem>>, vector<1x1x64x512xf32>,
    %jit3A_1538 = arith.constant 0.000000e+00 : f32
    %broadcast_in_dim3A_1539 = vector.broadcast %jit3A_1538 : f32 to vector<64x512xf32>
    %select_n3A_1540 = arith.select %and3A_1527, %add3A_1510, %broadcast_in_dim3A_1539 : vector<64x512xi1>, vector<64x512xf32>
    %swap3A_1541 = arith.constant 25 : index
    %swap3A_1542 = arith.constant 1 : index
    %swap3A_1543 = arith.constant 0 : index
    %swap3A_1544 = arith.constant 0 : index
    %swap3A_1545 = vector.load %arg6[%swap3A_1541, %swap3A_1542, %swap3A_1543, %swap3A_1544] : memref<27x3x64x512xf32, #tpu.memory_space<vmem>>, vector<1x1x64x512xf32>
    %swap3A_1546 = vector.shape_cast %swap3A_1545 : vector<1x1x64x512xf32> to vector<64x512xf32>
    %swap3A_1547 = vector.shape_cast %select_n3A_1540 : vector<64x512xf32> to vector<1x1x64x512xf32>
    tpu.vector_store %arg6[%swap3A_1541, %swap3A_1542, %swap3A_1543, %swap3A_1544], %swap3A_1547 {strides = array<i32>} : memref<27x3x64x512xf32, #tpu.memory_space<vmem>>, vector<1x1x64x512xf32>,
    %jit3A_1548 = arith.constant 0.000000e+00 : f32
    %broadcast_in_dim3A_1549 = vector.broadcast %jit3A_1548 : f32 to vector<64x512xf32>
    %select_n3A_1550 = arith.select %and3A_1527, %add3A_1516, %broadcast_in_dim3A_1549 : vector<64x512xi1>, vector<64x512xf32>
    %swap3A_1551 = arith.constant 25 : index
    %swap3A_1552 = arith.constant 2 : index
    %swap3A_1553 = arith.constant 0 : index
    %swap3A_1554 = arith.constant 0 : index
    %swap3A_1555 = vector.load %arg6[%swap3A_1551, %swap3A_1552, %swap3A_1553, %swap3A_1554] : memref<27x3x64x512xf32, #tpu.memory_space<vmem>>, vector<1x1x64x512xf32>
    %swap3A_1556 = vector.shape_cast %swap3A_1555 : vector<1x1x64x512xf32> to vector<64x512xf32>
    %swap3A_1557 = vector.shape_cast %select_n3A_1550 : vector<64x512xf32> to vector<1x1x64x512xf32>
    tpu.vector_store %arg6[%swap3A_1551, %swap3A_1552, %swap3A_1553, %swap3A_1554], %swap3A_1557 {strides = array<i32>} : memref<27x3x64x512xf32, #tpu.memory_space<vmem>>, vector<1x1x64x512xf32>,
    %get3A_1558 = arith.constant 26 : index
    %get3A_1559 = arith.constant 0 : index
    %get3A_1560 = vector.load %arg2[%get3A_1558, %get3A_1559] : memref<32x128xf32, #tpu.memory_space<vmem>>, vector<1x1xf32>
    %get3A_1561 = vector.extract %get3A_1560[0, 0] : f32 from vector<1x1xf32>
    %add3A_1562 = vector.broadcast %get3A_1561 : f32 to vector<64x512xf32>
    %add3A_1563 = arith.addf %sub3A_11, %add3A_1562 : vector<64x512xf32>
    %get3A_1564 = arith.constant 26 : index
    %get3A_1565 = arith.constant 1 : index
    %get3A_1566 = vector.load %arg2[%get3A_1564, %get3A_1565] : memref<32x128xf32, #tpu.memory_space<vmem>>, vector<1x1xf32>
    %get3A_1567 = vector.extract %get3A_1566[0, 0] : f32 from vector<1x1xf32>
    %add3A_1568 = vector.broadcast %get3A_1567 : f32 to vector<64x512xf32>
    %add3A_1569 = arith.addf %sub3A_14, %add3A_1568 : vector<64x512xf32>
    %get3A_1570 = arith.constant 26 : index
    %get3A_1571 = arith.constant 2 : index
    %get3A_1572 = vector.load %arg2[%get3A_1570, %get3A_1571] : memref<32x128xf32, #tpu.memory_space<vmem>>, vector<1x1xf32>
    %get3A_1573 = vector.extract %get3A_1572[0, 0] : f32 from vector<1x1xf32>
    %add3A_1574 = vector.broadcast %get3A_1573 : f32 to vector<64x512xf32>
    %add3A_1575 = arith.addf %sub3A_17, %add3A_1574 : vector<64x512xf32>
    %mul3A_1576 = arith.mulf %add3A_1563, %add3A_1563 : vector<64x512xf32>
    %mul3A_1577 = arith.mulf %add3A_1569, %add3A_1569 : vector<64x512xf32>
    %add3A_1578 = arith.addf %mul3A_1576, %mul3A_1577 : vector<64x512xf32>
    %mul3A_1579 = arith.mulf %add3A_1575, %add3A_1575 : vector<64x512xf32>
    %add3A_1580 = arith.addf %add3A_1578, %mul3A_1579 : vector<64x512xf32>
    %sqrt3A_1581 = math.sqrt %add3A_1580 : vector<64x512xf32>
    %le3A_1582 = arith.cmpf ole, %sqrt3A_1581, %min3A_31 : vector<64x512xf32>
    %gt3A_1583 = arith.constant 9.99999993E-9 : f32
    %gt3A_1584 = vector.broadcast %gt3A_1583 : f32 to vector<64x512xf32>
    %gt3A_1585 = arith.cmpf ogt, %sqrt3A_1581, %gt3A_1584 : vector<64x512xf32>
    %and3A_1586 = arith.andi %le3A_1582, %gt3A_1585 : vector<64x512xi1>
    %jit3A_1587 = arith.constant 0.000000e+00 : f32
    %broadcast_in_dim3A_1588 = vector.broadcast %jit3A_1587 : f32 to vector<64x512xf32>
    %select_n3A_1589 = arith.select %and3A_1586, %add3A_1563, %broadcast_in_dim3A_1588 : vector<64x512xi1>, vector<64x512xf32>
    %swap3A_1590 = arith.constant 26 : index
    %swap3A_1591 = arith.constant 0 : index
    %swap3A_1592 = arith.constant 0 : index
    %swap3A_1593 = arith.constant 0 : index
    %swap3A_1594 = vector.load %arg6[%swap3A_1590, %swap3A_1591, %swap3A_1592, %swap3A_1593] : memref<27x3x64x512xf32, #tpu.memory_space<vmem>>, vector<1x1x64x512xf32>
    %swap3A_1595 = vector.shape_cast %swap3A_1594 : vector<1x1x64x512xf32> to vector<64x512xf32>
    %swap3A_1596 = vector.shape_cast %select_n3A_1589 : vector<64x512xf32> to vector<1x1x64x512xf32>
    tpu.vector_store %arg6[%swap3A_1590, %swap3A_1591, %swap3A_1592, %swap3A_1593], %swap3A_1596 {strides = array<i32>} : memref<27x3x64x512xf32, #tpu.memory_space<vmem>>, vector<1x1x64x512xf32>,
    %jit3A_1597 = arith.constant 0.000000e+00 : f32
    %broadcast_in_dim3A_1598 = vector.broadcast %jit3A_1597 : f32 to vector<64x512xf32>
    %select_n3A_1599 = arith.select %and3A_1586, %add3A_1569, %broadcast_in_dim3A_1598 : vector<64x512xi1>, vector<64x512xf32>
    %swap3A_1600 = arith.constant 26 : index
    %swap3A_1601 = arith.constant 1 : index
    %swap3A_1602 = arith.constant 0 : index
    %swap3A_1603 = arith.constant 0 : index
    %swap3A_1604 = vector.load %arg6[%swap3A_1600, %swap3A_1601, %swap3A_1602, %swap3A_1603] : memref<27x3x64x512xf32, #tpu.memory_space<vmem>>, vector<1x1x64x512xf32>
    %swap3A_1605 = vector.shape_cast %swap3A_1604 : vector<1x1x64x512xf32> to vector<64x512xf32>
    %swap3A_1606 = vector.shape_cast %select_n3A_1599 : vector<64x512xf32> to vector<1x1x64x512xf32>
    tpu.vector_store %arg6[%swap3A_1600, %swap3A_1601, %swap3A_1602, %swap3A_1603], %swap3A_1606 {strides = array<i32>} : memref<27x3x64x512xf32, #tpu.memory_space<vmem>>, vector<1x1x64x512xf32>,
    %jit3A_1607 = arith.constant 0.000000e+00 : f32
    %broadcast_in_dim3A_1608 = vector.broadcast %jit3A_1607 : f32 to vector<64x512xf32>
    %select_n3A_1609 = arith.select %and3A_1586, %add3A_1575, %broadcast_in_dim3A_1608 : vector<64x512xi1>, vector<64x512xf32>
    %swap3A_1610 = arith.constant 26 : index
    %swap3A_1611 = arith.constant 2 : index
    %swap3A_1612 = arith.constant 0 : index
    %swap3A_1613 = arith.constant 0 : index
    %swap3A_1614 = vector.load %arg6[%swap3A_1610, %swap3A_1611, %swap3A_1612, %swap3A_1613] : memref<27x3x64x512xf32, #tpu.memory_space<vmem>>, vector<1x1x64x512xf32>
    %swap3A_1615 = vector.shape_cast %swap3A_1614 : vector<1x1x64x512xf32> to vector<64x512xf32>
    %swap3A_1616 = vector.shape_cast %select_n3A_1609 : vector<64x512xf32> to vector<1x1x64x512xf32>
    tpu.vector_store %arg6[%swap3A_1610, %swap3A_1611, %swap3A_1612, %swap3A_1613], %swap3A_1616 {strides = array<i32>} : memref<27x3x64x512xf32, #tpu.memory_space<vmem>>, vector<1x1x64x512xf32>,
    return
  }
  func.func @transform_0(%arg0: i32) -> (i32, i32) {
    %c0_i32 = arith.constant 0 : i32
    %c0_i32_0 = arith.constant 0 : i32
    %c0_i32_1 = arith.constant 0 : i32
    return %c0_i32, %c0_i32_0 : i32, i32
  }
  func.func @transform_1(%arg0: i32) -> (i32, i32) {
    %c0_i32 = arith.constant 0 : i32
    %c0_i32_0 = arith.constant 0 : i32
    %c0_i32_1 = arith.constant 0 : i32
    return %c0_i32, %c0_i32_0 : i32, i32
  }
  func.func @transform_2(%arg0: i32) -> (i32, i32) {
    %c0_i32 = arith.constant 0 : i32
    %c0_i32_0 = arith.constant 0 : i32
    %c0_i32_1 = arith.constant 0 : i32
    return %c0_i32, %c0_i32_0 : i32, i32
  }
  func.func @transform_3(%arg0: i32) -> (i32, i32) {
    %c0_i32 = arith.constant 0 : i32
    %c0_i32_0 = arith.constant 0 : i32
    return %arg0, %c0_i32 : i32, i32
  }
  func.func @transform_4(%arg0: i32) -> (i32, i32) {
    %c0_i32 = arith.constant 0 : i32
    %c0_i32_0 = arith.constant 0 : i32
    return %arg0, %c0_i32 : i32, i32
  }
  func.func @transform_5(%arg0: i32) -> (i32, i32, i32, i32) {
    %c0_i32 = arith.constant 0 : i32
    %c0_i32_0 = arith.constant 0 : i32
    %c0_i32_1 = arith.constant 0 : i32
    %c0_i32_2 = arith.constant 0 : i32
    return %c0_i32, %c0_i32_0, %arg0, %c0_i32_1 : i32, i32, i32, i32
  }
}

</mosaic_0001>

<sc_bundles>
// kernel: kernel.4.cloned.1.call-start
scs
__scs_entry_jumppad:
0x0: {  	(pc) =	sbr.rel $0x88, $3  }
0x1: {  	(tag) =	ssettag $0x0;
	lr =	simm.s32 $0x1  }
0x2: {  	[smem:$0x3F9D] =	sst lr;
	_ =	strace $0xD0000000  }
0x3: {  	_ = 	snop  }
0x4: {  	_ = 	snop  }
0x5: {  	_ = 	snop  }
0x6: {  	_ = 	snop  }
0x7: {  	_ = 	snop  }
__scs_overlays_trampoline_lowered:
0x8: {  	[smem:$0x3FAC] =	sst s0  }
0x9: {  	[smem:$0x3FAD] =	sst s1  }
0xa: {  	[smem:$0x3FAE] =	sst s2  }
0xb: {  	[smem:$0x3FAF] =	sst s3  }
0xc: {  	[smem:$0x3FB0] =	sst s4  }
0xd: {  	[smem:$0x3FB1] =	sst s5  }
0xe: {  	[smem:$0x3FB2] =	sst s6  }
0xf: {  	[smem:$0x3FB3] =	sst s7  }
0x10: {  	[smem:$0x3FB4] =	sst s8  }
0x11: {  	[smem:$0x3FB5] =	sst s9;
	s0 =	simm.s32 @!p0 $0x0  }
0x12: {  	s1 =	sld [smem:$0x3F9B];
	s0 =	simm.s32 @p0 $0x1  }
0x13: {  	[smem:$0x3FB6] =	sst s0;
	s0 =	simm.s32 @!p1 $0x0  }
0x14: {  	s2 =	sld [smem:$0x3F9A];
	s0 =	simm.s32 @p1 $0x1  }
0x15: {  	[smem:$0x3FB7] =	sst s0;
	s0 =	simm.s32 @!p2 $0x0  }
0x16: {  	s3 =	sld [smem:$0x3FDB];
	s0 =	simm.s32 @p2 $0x1  }
0x17: {  	s4 =	simm.s32 $0x1BF5;
	[smem:$0x3FB9] =	sst s0  }
0x18: {  	s0 =	sld [smem:$0x3F9C];
	_ =	swait.ge [sflag:s4], $0x0  }
0x19: {  	s7 =	sld [smem:$0x3F9D]  }
0x1a: {  	s8 =	sadd.s32 $0xFFFFE003, lr  }
0x1b: {  	s9 =	sadd.s32 $0xFFFFFEF7, lr;
	s5 =	simm.s32 $0xFFFFFFFF;
	p2 =	slt.u32 s8, $0xFFFFF086  }
0x1c: {  	p1 =	slt.u32 s9, $0xF7A;
	s5 =	simm.s32 @!p2 $0x0  }
0x1d: {  	s5 =	simm.s32 @p1 $0x1;
	p0 =	seq.s32 s7, s2  }
0x1e: {  	s7 =	smul.u32 @!p0 $0xF7A, s2;
	p2 =	seq.s32 @!p0 s5, $0x0  }
0x1f: {  	s9 =	smul.u32 $0xF7A, s1;
	s8 =	simm.s32 @!p0 $0x1BF5;
	p2 =	por !p2, p0  }
0x20: {  	[sflag:s8] =	ssyncset.s32 @!p0 $0xFFFFF086;
	s6 =	sadd.s32 @!p0 s3, s7;
	s7 =	simm.s32 @!p0 $0x108  }
0x21: {  	s3 =	sadd.s32 s3, s9;
	s6 =	sadd.s32 @!p0 $0x88, s6;
	s7 =	simm.s32 @p2 $0x1082  }
0x22: {  	[simem:s7], [sflag:s8] =	dma.local @!p0 [hbm:s6], $0xF7A  }
0x23: {  	s9 =	sor.u32 $0xD0000000, s2;
	s6 =	simm.s32 $0x108;
	_ =	swait.ge @!p0 [sflag:s8], $0x0  }
0x24: {  	s3 =	sadd.s32 $0x88, s3;
	s6 =	simm.s32 @!p1 $0x1082;
	[sflag:s4] =	ssyncset.s32 $0xFFFFF086  }
0x25: {  	[simem:s6], [sflag:s4] =	dma.local [hbm:s3], $0xF7A  }
0x26: {  	[smem:$0x3F9D] =	sst s1;
	(tag) =	ssettag s2;
	_ =	strace s9  }
0x27: {  	s1 =	sld [smem:$0x3FAD]  }
0x28: {  	s2 =	sld [smem:$0x3FAE]  }
0x29: {  	s4 =	sld [smem:$0x3FB0]  }
0x2a: {  	p0 =	seq.s32 s5, $0x0;
	s5 =	sld [smem:$0x3FB1]  }
0x2b: {  	s6 =	sld [smem:$0x3FB2]  }
0x2c: {  	s7 =	sld [smem:$0x3FB3]  }
0x2d: {  	s3 =	simm.s32 $0x108;
	s8 =	sld [smem:$0x3FB4]  }
0x2e: {  	s3 =	simm.s32 @!p0 $0x1082;
	s9 =	sld [smem:$0x3FB5]  }
0x2f: {  	lr =	sadd.s32 s0, s3;
	s0 =	sld [smem:$0x3FAC]  }
0x30: {  	s3 =	sld [smem:$0x3FAF]  }
0x31: {  	[smem:$0x3FB8] =	sst s10  }
0x32: {  	s10 =	sld [smem:$0x3FB6];
	_ =	sdelay $0x3  }
0x33: {  	p0 =	seq.s32 s10, $0x1;
	s10 =	sld [smem:$0x3FB8];
	_ =	sdelay $0x3  }
0x34: {  	[smem:$0x3FB8] =	sst s10  }
0x35: {  	s10 =	sld [smem:$0x3FB7];
	_ =	sdelay $0x3  }
0x36: {  	p1 =	seq.s32 s10, $0x1;
	s10 =	sld [smem:$0x3FB8];
	_ =	sdelay $0x3  }
0x37: {  	[smem:$0x3FB8] =	sst s10  }
0x38: {  	s10 =	sld [smem:$0x3FB9]  }
0x39: {  	_ = 	snop;
	(pc) =	sbr.ind lr, $3  }
0x3a: {  	_ = 	snop  }
0x3b: {  	_ = 	snop  }
0x3c: {  	p2 =	seq.s32 s10, $0x1;
	s10 =	sld [smem:$0x3FB8]  }
0x3d: {  	_ =	shalt  }
0x3e: {  	_ =	shalt  }
0x3f: {  	_ =	shalt  }
0x40: {  	_ =	shalt  }
0x41: {  	_ =	shalt  }
0x42: {  	_ =	shalt  }
0x43: {  	_ =	shalt  }
0x44: {  	_ =	shalt  }
0x45: {  	_ =	shalt  }
0x46: {  	_ =	shalt  }
0x47: {  	_ =	shalt  }
0x48: {  	_ =	shalt  }
0x49: {  	_ =	shalt  }
0x4a: {  	_ =	shalt  }
0x4b: {  	_ =	shalt  }
0x4c: {  	_ =	shalt  }
0x4d: {  	_ =	shalt  }
0x4e: {  	_ =	shalt  }
0x4f: {  	_ =	shalt  }
0x50: {  	_ =	shalt  }
0x51: {  	_ =	shalt  }
0x52: {  	_ =	shalt  }
0x53: {  	_ =	shalt  }
0x54: {  	_ =	shalt  }
0x55: {  	_ =	shalt  }
0x56: {  	_ =	shalt  }
0x57: {  	_ =	shalt  }
0x58: {  	_ =	shalt  }
0x59: {  	_ =	shalt  }
0x5a: {  	_ =	shalt  }
0x5b: {  	_ =	shalt  }
0x5c: {  	_ =	shalt  }
0x5d: {  	_ =	shalt  }
0x5e: {  	_ =	shalt  }
0x5f: {  	_ =	shalt  }
0x60: {  	_ =	shalt  }
0x61: {  	_ =	shalt  }
0x62: {  	_ =	shalt  }
0x63: {  	_ =	shalt  }
0x64: {  	_ =	shalt  }
0x65: {  	_ =	shalt  }
0x66: {  	_ =	shalt  }
0x67: {  	_ =	shalt  }
0x68: {  	_ =	shalt  }
0x69: {  	_ =	shalt  }
0x6a: {  	_ =	shalt  }
0x6b: {  	_ =	shalt  }
0x6c: {  	_ =	shalt  }
0x6d: {  	_ =	shalt  }
0x6e: {  	_ =	shalt  }
0x6f: {  	_ =	shalt  }
0x70: {  	_ =	shalt  }
0x71: {  	_ =	shalt  }
0x72: {  	_ =	shalt  }
0x73: {  	_ =	shalt  }
0x74: {  	_ =	shalt  }
0x75: {  	_ =	shalt  }
0x76: {  	_ =	shalt  }
0x77: {  	_ =	shalt  }
0x78: {  	_ =	shalt  }
0x79: {  	_ =	shalt  }
0x7a: {  	_ =	shalt  }
0x7b: {  	_ =	shalt  }
0x7c: {  	_ =	shalt  }
0x7d: {  	_ =	shalt  }
0x7e: {  	_ =	shalt  }
0x7f: {  	_ =	shalt  }
0x80: {  	_ =	shalt  }
0x81: {  	_ =	shalt  }
0x82: {  	_ =	shalt  }
0x83: {  	_ =	shalt  }
0x84: {  	_ =	shalt  }
0x85: {  	_ =	shalt  }
0x86: {  	_ =	shalt  }
0x87: {  	_ =	shalt  }
.Lfunc_end0:
.L_simem_size_0:
called_computation_lowered:
.L_overlay_start_0:
0x88: {  	s2 =	sld [smem:$0x3FD9]  }
0x89: {  	s3 =	sld [smem:$0x3FFE];
	_ =	sdelay $0x1  }
0x8a: {  	s1 =	srdreg.scid  }
0x8b: {  	s0 =	sand.u32 $0x1, s1  }
0x8c: {  	s17 =	sshll.u32 s0, $0xA;
	s2 =	sadd.s32 s3, s2  }
0x8d: {  	s2 =	sadd.s32 s2, s17  }
0x8e: {  	[smem:$0x3FC4] =	sst s2  }
0x8f: {  	_ = 	snop  }
0x90: {  	s2 =	sld [smem:$0x3FC6]  }
0x91: {  	s18 =	sld [smem:$0x3FD0];
	(tm) =	ssettm $0x1  }
0x92: {  	s4 =	sld [smem:$0x3FFB];
	_ =	sdelay $0x3  }
0x93: {  	_ =	strace s4  }
0x94: {  	s4 =	sld [smem:$0x3FFC];
	_ =	sdelay $0x3  }
0x95: {  	_ =	strace s4  }
0x96: {  	s4 =	sld [smem:$0x3FFD];
	_ =	sdelay $0x3  }
0x97: {  	_ =	strace s4  }
0x98: {  	_ =	strace $0x8FFFFFFF  }
0x99: {  	s19 =	sld [smem:$0x3FDB];
	_ =	sdelay $0x1  }
0x9a: {  	s5 =	simm.s32 $_scs_section_size  }
0x9b: {  	s6 =	simm.s32 $_size__tile_overlayer_lowered;
	s7 =	simm.s32 $_tile_overlayer_lowered  }
0x9c: {  	s22 =	simm.s32 $0x1BFF;
	s21 =	sshll.u32 s7, $0x1;
	s4 =	sadd.s32 s5, s19  }
0x9d: {  	s8 =	simm.s32 $0x0;
	s20 =	sshll.u32 s6, $0x1;
	s6 =	sadd.s32 s21, s4  }
0x9e: {  	[timem:s8], [sflag:s22] =	dma.local [hbm:s6], s20  }
0x9f: {  	_ =	swait.ge [sflag:s22], s20  }
0xa0: {  	s5 =	ssub.s32 $0x0, s20;
	[sflag:s22] =	ssyncset.done $0x0  }
0xa1: {  	[sflag:s22] =	ssyncadd.s32 s5;
	_ =	sdelay $0x1  }
0xa2: {  	s23 =	simm.s32 $0x1B8B  }
0xa3: {  	_ =	swait.ge [sflag:s23], $0x1  }
0xa4: {  	[sflag:s23] =	ssyncset.done $0x0  }
0xa5: {  	s25 =	simm.s32 $0x1B8E;
	s24 =	sld [smem:$0x3FFE];
	[sflag:s23] =	ssyncadd.s32 $0xFFFFFFFF  }
0xa6: {  	s26 =	simm.s32 $execute0_lowered;
	[smem:$0x3FD2] =	sst s25  }
0xa7: {  	s6 =	sshll.u32 s26, $0x1;
	_ =	strace $0x80000046;
	[dreg:$0x1] =	wrdreg $0xFFFFFFFF  }
0xa8: {  	s28 =	simm.s32 $_size_execute0_lowered;
	s4 =	sadd.s32 s4, s6;
	[dreg:$0x0] =	wrdreg $0x0  }
0xa9: {  	s6 =	sshll.u32 s28, $0x1;
	[dreg:$0x2] =	wrdreg s4  }
0xaa: {  	[dreg:$0x3] =	wrdreg s6  }
0xab: {  	[dreg:$0x4] =	wrdreg $0xC0  }
0xac: {  	_ =	task [dreg:s8], $0x5FFFF  }
0xad: {  	[dreg:$0x1] =	wrdreg $0xFFFFFFFF  }
0xae: {  	[dreg:$0x0] =	wrdreg $0x60  }
0xaf: {  	[dreg:$0x2] =	wrdreg s24  }
0xb0: {  	[dreg:$0x3] =	wrdreg s2  }
0xb1: {  	[dreg:$0x4] =	wrdreg s18  }
0xb2: {  	[dreg:$0x5] =	wrdreg $0x9  }
0xb3: {  	_ =	task.clear_ibuf [dreg:s8], $0x6FFFF;
	_ =	strace $0x90000046  }
0xb4: {  	s29 =	simm.s32 $0x9;
	_ =	strace $0x80000048  }
0xb5: {  	_ =	swait.ge [sflag:s29], $0x1  }
0xb6: {  	[sflag:s29] =	ssyncadd.s32 $0xFFFFFFFF  }
0xb7: {  	_ =	strace $0x90000048  }
0xb8: {  	_ =	sfence  }
0xb9: {  	s30 =	sld [smem:$0x0];
	_ =	sdelay $0x2  }
0xba: {  	s31 =	sshll.u32 s1, $0xD;
	s1 =	sshrl.u32 s1, $0x2  }
0xbb: {  	s3 =	sand.u32 $0x4000, s31;
	s1 =	sadd.s32 s1, s30  }
0xbc: {  	s0 =	sor.u32 s3, s0;
	s1 =	sshll.u32 s1, $0x11  }
0xbd: {  	s0 =	sor.u32 s1, s0  }
0xbe: {  	s0 =	sadd.s32 $0x8F2B, s0  }
0xbf: {  	[sflag:s0] =	ssyncadd.remote.s32 $0x1  }
0xc0: {  	_ =	sfence.sel $0xFFFF  }
0xc1: {  	[dreg:$0x0] =	wrdreg $0xFFFFFFFF;
	(pc) =	sbr.abs _section_cstart, $3  }
0xc2: {  	[dreg:$0x1] =	wrdreg $0xFFFFFFFF  }
0xc3: {  	_ =	task.clear_ibuf [dreg:s8], $0x2FFFF;
	_ =	strace $0x9FFFFFFF  }
0xc4: {  	(tm) =	ssettm $0x7FFFFFFF  }
0xc5: {  	_ =	shalt  }
tec
execute0_lowered:
.L_overlay_start_1:
0x0: {  	(tag) =	ssettag $0x1  }
0x1: {  	s5 =	rddreg [dreg:$0x0]  }
0x2: {  	s3 =	rddreg [dreg:$0x1]  }
0x3: {  	s9 =	rddreg [dreg:$0x2]  }
0x4: {  	s2 =	srdreg.scid;
	s0 =	rddreg [dreg:$0x3]  }
0x5: {  	s1 =	stileid.u32;
	s8 =	simm.s32 $0x1;
	s6 =	sand.u32 $0x1, s2  }
0x6: {  	s2 =	simm.s32 $0x0;
	s4 =	sshll.u32 s1, $0x2;
	s7 =	sshll.u32 s6, $0x1  }
0x7: {  	[smem:$0x7FF] =	sst s2;
	s11 =	ssub.s32 $0x2, s6;
	s10 =	sor.u32 s7, s4  }
0x8: {  	_ =	strace $0x80000047;
	s4 =	sadd.s32 s3, s10;
	s3 =	simm.s32 $0x2  }
0x9: {  	[tilespmem:s2], [sflag:$0x2] =	stream.linear.gather [hbm4b:s4+s2], $0x10, $0x38;
	[tilespmem:$0x100] =	vst v63  }
0xa: {  	s5 =	sadd.s32 $0x800, s5;
	s12 =	sshrl.u32 s11, $0x1;
	_ =	swait.ge [sflag:s3], $0x10  }
0xb: {  	s6 =	simm.s32 $0x10;
	s11 =	ssub.s32 s11, s12;
	[sflag:s3] =	ssyncset.done $0x0  }
0xc: {  	s7 =	simm.s32 $0x80;
	s31 =	smax.u32 s11, $0x1;
	[sflag:s3] =	ssyncadd.s32 $0xFFFFFFF0  }
0xd: {  	[tilespmem:s7], [sflag:$0x1] =	stream.indirect.gather [hbm4b:s5+s6], $0x1, s2, s6, $0xb8;
	[tilespmem:$0x100] =	vst v63  }
0xe: {  	p0 =	sne.s32 s31, $0x1;
	_ =	swait.ge [sflag:s8], $0x10  }
.Ltmp0:
0xf: {  	[sflag:s8] =	ssyncset.done $0x0;
	(pc) =	sbr.rel @!p0 .LBB2_2-.Ltmp0, $4  }
0x10: {  	s9 =	sadd.s32 s9, s10;
	[sflag:s8] =	ssyncadd.s32 $0xFFFFFFF0  }
0x11: {  	[hbm4b:s9+s2] =	stream.linear.scatter [tilespmem:s7], [sflag:$0x2], $0x10, $0x38;
	[tilespmem:$0x100] =	vst v63  }
0x12: {  	_ =	swait.ge [sflag:s3], $0x10  }
0x13: {  	s10 =	sadd.s32 $0xFFFFFFFF, s31;
	[sflag:s3] =	ssyncset.done $0x0  }
.LBB2_1:
0x14: {  	p0 =	sne.s32 s10, $0x1;
	s10 =	sadd.s32 $0xFFFFFFFF, s10;
	[sflag:s3] =	ssyncadd.s32 $0xFFFFFFF0  }
0x15: {  	[tilespmem:s2], [sflag:$0x2] =	stream.linear.gather [hbm4b:s4+s2], $0x10, $0x38;
	[tilespmem:$0x100] =	vst v63  }
0x16: {  	_ =	swait.ge [sflag:s3], $0x10  }
0x17: {  	[sflag:s3] =	ssyncset.done $0x0  }
0x18: {  	[sflag:s3] =	ssyncadd.s32 $0xFFFFFFF0  }
0x19: {  	[tilespmem:s7], [sflag:$0x1] =	stream.indirect.gather [hbm4b:s5+s6], $0x1, s2, s6, $0xb8;
	[tilespmem:$0x100] =	vst v63  }
0x1a: {  	_ =	swait.ge [sflag:s8], $0x10  }
.Ltmp1:
0x1b: {  	[sflag:s8] =	ssyncset.done $0x0;
	(pc) =	sbr.rel @p0 .LBB2_1-.Ltmp1, $4  }
0x1c: {  	[sflag:s8] =	ssyncadd.s32 $0xFFFFFFF0  }
0x1d: {  	[hbm4b:s9+s2] =	stream.linear.scatter [tilespmem:s7], [sflag:$0x2], $0x10, $0x38;
	[tilespmem:$0x100] =	vst v63  }
0x1e: {  	_ =	swait.ge [sflag:s3], $0x10  }
0x1f: {  	[sflag:s3] =	ssyncset.done $0x0  }
.LBB2_2:
0x20: {  	[sflag:s3] =	ssyncadd.s32 $0xFFFFFFF0  }
0x21: {  	_ =	sfence.sel $0x180000  }
0x22: {  	[bflag:$0x0] =	sbarrier.arrive $0xFFFF  }
0x23: {  	p0 =	sne.s32 s1, $0x0;
	_ =	strace $0x90000047  }
0x24: {  	s0 =	sadd.s32 @!p0 $0x100000, s0;
	[bflag:$0x2] =	sbarrier.arrive $0xFFFF  }
0x25: {  	[sflag:s0] =	ssyncadd.tile.s32 @!p0 $0x1;
	_ =	shalt  }
.Lfunc_end2:
_tile_overlayer_lowered:
.L_overlay_start_2:
0x26: {  	(tag) =	ssettag $0x2  }
0x27: {  	s0 =	rddreg [dreg:$0x0];
	s2 =	stileid.u32  }
0x28: {  	s1 =	rddreg [dreg:$0x1];
	p0 =	sne.s32 s2, $0x0  }
0x29: {  	s3 =	rddreg [dreg:$0x2];
	[bflag:$0x3] =	sbarrier.arrive $0xFFFF;
	s2 =	simm.s32 @!p0 $0x1C02  }
0x2a: {  	[timem:s3], [sflag:s2] =	dma.local @!p0 [hbm:s0], s1  }
0x2b: {  	s0 =	simm.s32 @!p0 $0x2  }
0x2c: {  	_ =	swait.ge @!p0 [sflag:s0], s1  }
0x2d: {  	s1 =	ssub.s32 @!p0 $0x0, s1;
	[sflag:s0] =	ssyncset.done @!p0 $0x0  }
0x2e: {  	[sflag:s0] =	ssyncadd.s32 @!p0 s1  }
0x2f: {  	[bflag:$0x3] =	sbarrier.arrive $0xFFFF  }
0x30: {  	_ =	shalt  }

</sc_bundles>
